<compile_context>
chip_gen: v7x
topology: tpu7x:2x2x1
jax: 0.10.2.dev20260603
libtpu: 0.0.44.dev20260713+nightly
codegen_flags: <defaults>
</compile_context>

<pallas_src>
import functools

import jax
import jax.numpy as jnp
from jax import lax
from jax.experimental import pallas as pl
from jax.experimental.pallas import tpu as pltpu
from jax.experimental.pallas import tpu_sc as plsc

D = 128
NPAD = 10240
RPT = NPAD // 16
B = 128
NW = 32
CORE0_SHARE_PCT = 72


def _make_sc_counts(K):
    mesh = plsc.VectorSubcoreMesh(core_axis_name="c", subcore_axis_name="s")

    @functools.partial(
        pl.kernel,
        out_type=jax.ShapeDtypeStruct((2, NPAD, D), jnp.float32),
        mesh=mesh,
        scratch_types=[
            pltpu.VMEM((K, B), jnp.int32),
            pltpu.VMEM((B, D), jnp.float32),
            pltpu.VMEM((64, D), jnp.float32),
            pltpu.VMEM_SHARED((NPAD, D), jnp.float32),
        ],
    )
    def k(dst_hbm, cnt_hbm, didx, ones, zbuf, cnt_sh):
        c = lax.axis_index("c")
        s = lax.axis_index("s")
        wid = c * 16 + s

        zero16 = jnp.zeros((16,), jnp.float32)
        one0 = jnp.where(lax.iota(jnp.int32, 16) == 0,
                         jnp.float32(1.0), jnp.float32(0.0))

        def fill_z(i, _):
            for u in range(8):
                zbuf[i, pl.ds(u * 16, 16)] = zero16
            return 0
        lax.fori_loop(0, 64, fill_z, 0)

        def fill_ones(i, _):
            ones[i, pl.ds(0, 16)] = one0
            for u in range(1, 8):
                ones[i, pl.ds(u * 16, 16)] = zero16
            return 0
        lax.fori_loop(0, B, fill_ones, 0)

        for t in range(RPT // 64):
            pltpu.sync_copy(zbuf, cnt_sh.at[pl.ds(s * RPT + t * 64, 64)])
        plsc.subcore_barrier()

        pltpu.sync_copy(dst_hbm.at[wid], didx)

        def body(j, _):
            pltpu.sync_copy(ones, cnt_sh.at[didx.at[j]], add=True)
            return 0
        lax.fori_loop(0, K, body, 0)

        plsc.subcore_barrier()
        pltpu.sync_copy(cnt_sh.at[pl.ds(s * RPT, RPT)],
                        cnt_hbm.at[c, pl.ds(s * RPT, RPT)])

    return k


def _make_sc_aggregate(K, K0, K1):
    mesh = plsc.VectorSubcoreMesh(core_axis_name="c", subcore_axis_name="s")

    @functools.partial(
        pl.kernel,
        out_type=jax.ShapeDtypeStruct((2, NPAD, D), jnp.float32),
        mesh=mesh,
        scratch_types=[
            pltpu.VMEM((K, B), jnp.int32),
            pltpu.VMEM((K, B), jnp.int32),
            pltpu.VMEM((B, D), jnp.float32),
            pltpu.VMEM_SHARED((NPAD, D), jnp.float32),
            pltpu.SemaphoreType.DMA,
        ],
    )
    def k(x_hbm, src_hbm, dst_hbm, part_hbm,
          sidx, didx, rows, acc_sh, gsem):
        c = lax.axis_index("c")
        s = lax.axis_index("s")
        wid = c * 16 + s

        zero16 = jnp.zeros((16,), jnp.float32)

        def fill_z(i, _):
            for u in range(8):
                rows[i, pl.ds(u * 16, 16)] = zero16
            return 0
        lax.fori_loop(0, B, fill_z, 0)
        for t in range(RPT // B):
            pltpu.sync_copy(rows, acc_sh.at[pl.ds(s * RPT + t * B, B)])
        plsc.subcore_barrier()

        pltpu.sync_copy(src_hbm.at[wid], sidx)
        pltpu.sync_copy(dst_hbm.at[wid], didx)

        def body(j, _):
            pltpu.async_copy(x_hbm.at[sidx.at[j]], rows, gsem).wait()
            pltpu.sync_copy(rows, acc_sh.at[didx.at[j]], add=True)
            return 0

        kmin = min(K0, K1)
        lax.fori_loop(0, kmin, body, 0)

        @pl.when(c == (0 if K0 > K1 else 1))
        def _():
            lax.fori_loop(kmin, max(K0, K1), body, 0)

        plsc.subcore_barrier()
        pltpu.sync_copy(acc_sh.at[pl.ds(s * RPT, RPT)],
                        part_hbm.at[c, pl.ds(s * RPT, RPT)])

    return k


def _tc_dense(p0, p1, c0, c1, x, Wlt, Wrt, b):
    R = 512
    grid = (NPAD // R,)

    def body(p0_ref, p1_ref, c0_ref, c1_ref, x_ref, wl_ref, wr_ref, b_ref,
             o_ref):
        xs = x_ref[...]
        summed = p0_ref[...] + p1_ref[...] + xs
        inv = 1.0 / (c0_ref[...] + c1_ref[...] + 1.0)
        mean = summed * inv
        h = (jnp.dot(mean, wl_ref[...], preferred_element_type=jnp.float32)
             + jnp.dot(xs, wr_ref[...], preferred_element_type=jnp.float32)
             + b_ref[...])
        o_ref[...] = jnp.maximum(h, 0.0)

    rowblk = pl.BlockSpec((R, D), lambda i: (i, 0))
    colvec = pl.BlockSpec((R, 1), lambda i: (i, 0))
    full = pl.BlockSpec((D, D), lambda i: (0, 0))
    return pl.pallas_call(
        body,
        grid=grid,
        in_specs=[rowblk, rowblk, colvec, colvec, rowblk, full, full,
                  pl.BlockSpec((1, D), lambda i: (0, 0))],
        out_specs=rowblk,
        out_shape=jax.ShapeDtypeStruct((NPAD, D), jnp.float32),
    )(p0, p1, c0, c1, x, Wlt, Wrt, b)


def kernel(node_features, edge_index, W_l1, W_r1, b1, W_l2, W_r2, b2):
    n = node_features.shape[0]
    e = edge_index.shape[1]
    Kc = -(-e // (NW * B))
    epad = NW * Kc * B

    src = jnp.concatenate(
        [edge_index[0], jnp.zeros((epad - e,), jnp.int32)])
    dst = jnp.concatenate(
        [edge_index[1], jnp.full((epad - e,), NPAD - 1, jnp.int32)])
    dst3 = dst.reshape(NW, Kc, B)

    K0 = (2 * Kc * CORE0_SHARE_PCT + 50) // 100
    K1 = 2 * Kc - K0
    K = max(K0, K1)
    srcb = src.reshape(16 * (K0 + K1), B)
    dstb = dst.reshape(16 * (K0 + K1), B)

    def part(blk):
        a = blk[:16 * K0].reshape(16, K0, B)
        b = blk[16 * K0:].reshape(16, K1, B)
        a = jnp.pad(a, ((0, 0), (0, K - K0), (0, 0)))
        b = jnp.pad(b, ((0, 0), (0, K - K1), (0, 0)))
        return jnp.concatenate([a, b], axis=0)

    src3 = part(srcb)
    dst3a = part(dstb)

    x = jnp.pad(node_features, ((0, NPAD - n), (0, 0)))
    Wl1t = W_l1.T
    Wr1t = W_r1.T
    Wl2t = W_l2.T
    Wr2t = W_r2.T
    b1r = b1.reshape(1, D)
    b2r = b2.reshape(1, D)

    cnt = _make_sc_counts(Kc)(dst3)
    c0 = lax.slice(cnt[0], (0, 0), (NPAD, 1))
    c1 = lax.slice(cnt[1], (0, 0), (NPAD, 1))

    sc = _make_sc_aggregate(K, K0, K1)

    part1 = sc(x, src3, dst3a)
    h1 = _tc_dense(part1[0], part1[1], c0, c1, x, Wl1t, Wr1t, b1r)

    part2 = sc(h1, src3, dst3a)
    h2 = _tc_dense(part2[0], part2[1], c0, c1, h1, Wl2t, Wr2t, b2r)

    return h2[:n]

# --- scband reference (transcript-rebuilt; emitter-appended) ---
"""Pipeline reference for scband-graph-sage-14946486190200 (READ-ONLY COPY).

The authoritative reference and input builder live on the scoring server;
editing this copy changes nothing except your own understanding.
"""

import jax, jax.numpy as jnp
import numpy as np

N = 10000
E = 320000
D = 128


def setup_inputs(seed: int = 0) -> dict:
    key = jax.random.key(seed)
    ks = jax.random.split(key, 8)
    node_features = jax.random.normal(ks[0], (N, D), dtype=jnp.float32)
    edge_index = jax.random.randint(ks[1], (2, E), 0, N, dtype=jnp.int32)
    s = 1.0 / np.sqrt(D)
    W_l1 = jax.random.normal(ks[2], (D, D), dtype=jnp.float32) * s
    W_r1 = jax.random.normal(ks[3], (D, D), dtype=jnp.float32) * s
    b1 = jnp.zeros((D,), dtype=jnp.float32)
    W_l2 = jax.random.normal(ks[4], (D, D), dtype=jnp.float32) * s
    W_r2 = jax.random.normal(ks[5], (D, D), dtype=jnp.float32) * s
    b2 = jnp.zeros((D,), dtype=jnp.float32)
    return {"node_features": node_features, "edge_index": edge_index,
            "W_l1": W_l1, "W_r1": W_r1, "b1": b1,
            "W_l2": W_l2, "W_r2": W_r2, "b2": b2}


def _add_self_loops(edge_index, num_nodes):
    loop = jnp.arange(num_nodes, dtype=edge_index.dtype)
    loops = jnp.stack([loop, loop], axis=0)
    return jnp.concatenate([edge_index, loops], axis=1)


def _sage_conv(x, edge_index, W_l, W_r, b, num_nodes):
    # PyG SAGEConv (aggr='mean', root_weight=True):
    # out_i = W_l @ mean_{j in N(i)} x_j + W_r @ x_i + b
    src = edge_index[0]
    dst = edge_index[1]
    msg = jnp.take(x, src, axis=0)
    summed = jax.ops.segment_sum(msg, dst, num_segments=num_nodes)
    cnt = jax.ops.segment_sum(jnp.ones((edge_index.shape[1],), dtype=x.dtype), dst, num_segments=num_nodes)
    mean = summed / jnp.maximum(cnt, 1.0)[:, None]
    return mean @ W_l.T + x @ W_r.T + b


def reference(node_features, edge_index, W_l1, W_r1, b1, W_l2, W_r2, b2):
    # add_self_loops applied once before the layer loop (as in the torch forward)
    ei = _add_self_loops(edge_index, node_features.shape[0])
    x = node_features
    x = _sage_conv(x, ei, W_l1, W_r1, b1, N)
    x = jax.nn.relu(x)
    # dropout: identity in eval mode
    x = _sage_conv(x, ei, W_l2, W_r2, b2, N)
    x = jax.nn.relu(x)
    return x

if __name__ == "__main__":
    import jax
    _d = setup_inputs()
    print(jax.jit(kernel)(*tuple(_d.values())))

</pallas_src>

<mosaic_0001>
#map = affine_map<(d0, d1) -> (0, 0, 0)>
module attributes {stable_mosaic.version = 14 : i64} {
  func.func @k(%arg0: i32, %arg1: i32, %arg2: memref<32x79x128xi32, #tpu.memory_space<hbm>>, %arg3: memref<2x10240x128xf32, #tpu.memory_space<hbm>>, %arg4: memref<79x128xi32, #tpu.memory_space<vmem>>, %arg5: memref<128x128xf32, #tpu.memory_space<vmem>>, %arg6: memref<64x128xf32, #tpu.memory_space<vmem>>, %arg7: memref<10240x128xf32, #tpu.memory_space<vmem_shared>>) attributes {dimension_semantics = [#tpu.dimension_semantics<core_parallel>, #tpu.dimension_semantics<subcore_parallel>], iteration_bounds = array<i64: 2, 16>, scalar_prefetch = 0 : i64, scratch_operands = 4 : i64, tpu.core_type = #tpu.core_type<sc_vector_subcore>, window_params = [{transform_indices = #map}, {transform_indices = #map}]} {
    %mul3A = arith.constant 16 : i32
    %mul3A_0 = arith.muli %arg0, %mul3A : i32
    %add3A = arith.addi %mul3A_0, %arg1 : i32
    %broadcast_in_dim3A = arith.constant 0.000000e+00 : f32
    %broadcast_in_dim3A_1 = vector.broadcast %broadcast_in_dim3A : f32 to vector<16xf32>
    %iota3A = tpu.iota {dimensions = array<i32: 0>} : vector<16xi32>
    %eq3A = arith.constant 0 : i32
    %eq3A_2 = vector.broadcast %eq3A : i32 to vector<16xi32>
    %eq3A_3 = arith.cmpi eq, %iota3A, %eq3A_2 : vector<16xi32>
    %jit3A = arith.constant 1.000000e+00 : f32
    %jit3A_4 = arith.constant 0.000000e+00 : f32
    %broadcast_in_dim3A_5 = vector.broadcast %jit3A : f32 to vector<16xf32>
    %broadcast_in_dim3A_6 = vector.broadcast %jit3A_4 : f32 to vector<16xf32>
    %select_n3A = arith.select %eq3A_3, %broadcast_in_dim3A_5, %broadcast_in_dim3A_6 : vector<16xi1>, vector<16xf32>
    %scan3A = arith.constant 0 : i32
    %scan3A_7 = arith.constant 0 : i32
    %scan3A_8 = arith.constant 64 : i32
    %scan3A_9 = arith.addi %scan3A_7, %scan3A_8 : i32
    %scan3A_10 = arith.constant 1 : i32
    %scan3A_11 = scf.for %scan3A_72 = %scan3A_7 to %scan3A_9 step %scan3A_10 iter_args(%scan3A_73 = %scan3A) -> (i32)  : i32 {
      %swap3A = arith.index_cast %scan3A_72 : i32 to index
      %swap3A_74 = arith.constant 0 : index
      %swap3A_75 = tpu.vector_load %arg6[%swap3A, %swap3A_74] {strides = array<i32>} : memref<64x128xf32, #tpu.memory_space<vmem>>, vector<1x16xf32>,
      %swap3A_76 = vector.shape_cast %swap3A_75 : vector<1x16xf32> to vector<16xf32>
      %swap3A_77 = vector.shape_cast %broadcast_in_dim3A_1 : vector<16xf32> to vector<1x16xf32>
      tpu.vector_store %arg6[%swap3A, %swap3A_74], %swap3A_77 {strides = array<i32>} : memref<64x128xf32, #tpu.memory_space<vmem>>, vector<1x16xf32>,
      %swap3A_78 = arith.index_cast %scan3A_72 : i32 to index
      %swap3A_79 = arith.constant 16 : index
      %swap3A_80 = tpu.vector_load %arg6[%swap3A_78, %swap3A_79] {strides = array<i32>} : memref<64x128xf32, #tpu.memory_space<vmem>>, vector<1x16xf32>,
      %swap3A_81 = vector.shape_cast %swap3A_80 : vector<1x16xf32> to vector<16xf32>
      %swap3A_82 = vector.shape_cast %broadcast_in_dim3A_1 : vector<16xf32> to vector<1x16xf32>
      tpu.vector_store %arg6[%swap3A_78, %swap3A_79], %swap3A_82 {strides = array<i32>} : memref<64x128xf32, #tpu.memory_space<vmem>>, vector<1x16xf32>,
      %swap3A_83 = arith.index_cast %scan3A_72 : i32 to index
      %swap3A_84 = arith.constant 32 : index
      %swap3A_85 = tpu.vector_load %arg6[%swap3A_83, %swap3A_84] {strides = array<i32>} : memref<64x128xf32, #tpu.memory_space<vmem>>, vector<1x16xf32>,
      %swap3A_86 = vector.shape_cast %swap3A_85 : vector<1x16xf32> to vector<16xf32>
      %swap3A_87 = vector.shape_cast %broadcast_in_dim3A_1 : vector<16xf32> to vector<1x16xf32>
      tpu.vector_store %arg6[%swap3A_83, %swap3A_84], %swap3A_87 {strides = array<i32>} : memref<64x128xf32, #tpu.memory_space<vmem>>, vector<1x16xf32>,
      %swap3A_88 = arith.index_cast %scan3A_72 : i32 to index
      %swap3A_89 = arith.constant 48 : index
      %swap3A_90 = tpu.vector_load %arg6[%swap3A_88, %swap3A_89] {strides = array<i32>} : memref<64x128xf32, #tpu.memory_space<vmem>>, vector<1x16xf32>,
      %swap3A_91 = vector.shape_cast %swap3A_90 : vector<1x16xf32> to vector<16xf32>
      %swap3A_92 = vector.shape_cast %broadcast_in_dim3A_1 : vector<16xf32> to vector<1x16xf32>
      tpu.vector_store %arg6[%swap3A_88, %swap3A_89], %swap3A_92 {strides = array<i32>} : memref<64x128xf32, #tpu.memory_space<vmem>>, vector<1x16xf32>,
      %swap3A_93 = arith.index_cast %scan3A_72 : i32 to index
      %swap3A_94 = arith.constant 64 : index
      %swap3A_95 = tpu.vector_load %arg6[%swap3A_93, %swap3A_94] {strides = array<i32>} : memref<64x128xf32, #tpu.memory_space<vmem>>, vector<1x16xf32>,
      %swap3A_96 = vector.shape_cast %swap3A_95 : vector<1x16xf32> to vector<16xf32>
      %swap3A_97 = vector.shape_cast %broadcast_in_dim3A_1 : vector<16xf32> to vector<1x16xf32>
      tpu.vector_store %arg6[%swap3A_93, %swap3A_94], %swap3A_97 {strides = array<i32>} : memref<64x128xf32, #tpu.memory_space<vmem>>, vector<1x16xf32>,
      %swap3A_98 = arith.index_cast %scan3A_72 : i32 to index
      %swap3A_99 = arith.constant 80 : index
      %swap3A_100 = tpu.vector_load %arg6[%swap3A_98, %swap3A_99] {strides = array<i32>} : memref<64x128xf32, #tpu.memory_space<vmem>>, vector<1x16xf32>,
      %swap3A_101 = vector.shape_cast %swap3A_100 : vector<1x16xf32> to vector<16xf32>
      %swap3A_102 = vector.shape_cast %broadcast_in_dim3A_1 : vector<16xf32> to vector<1x16xf32>
      tpu.vector_store %arg6[%swap3A_98, %swap3A_99], %swap3A_102 {strides = array<i32>} : memref<64x128xf32, #tpu.memory_space<vmem>>, vector<1x16xf32>,
      %swap3A_103 = arith.index_cast %scan3A_72 : i32 to index
      %swap3A_104 = arith.constant 96 : index
      %swap3A_105 = tpu.vector_load %arg6[%swap3A_103, %swap3A_104] {strides = array<i32>} : memref<64x128xf32, #tpu.memory_space<vmem>>, vector<1x16xf32>,
      %swap3A_106 = vector.shape_cast %swap3A_105 : vector<1x16xf32> to vector<16xf32>
      %swap3A_107 = vector.shape_cast %broadcast_in_dim3A_1 : vector<16xf32> to vector<1x16xf32>
      tpu.vector_store %arg6[%swap3A_103, %swap3A_104], %swap3A_107 {strides = array<i32>} : memref<64x128xf32, #tpu.memory_space<vmem>>, vector<1x16xf32>,
      %swap3A_108 = arith.index_cast %scan3A_72 : i32 to index
      %swap3A_109 = arith.constant 112 : index
      %swap3A_110 = tpu.vector_load %arg6[%swap3A_108, %swap3A_109] {strides = array<i32>} : memref<64x128xf32, #tpu.memory_space<vmem>>, vector<1x16xf32>,
      %swap3A_111 = vector.shape_cast %swap3A_110 : vector<1x16xf32> to vector<16xf32>
      %swap3A_112 = vector.shape_cast %broadcast_in_dim3A_1 : vector<16xf32> to vector<1x16xf32>
      tpu.vector_store %arg6[%swap3A_108, %swap3A_109], %swap3A_112 {strides = array<i32>} : memref<64x128xf32, #tpu.memory_space<vmem>>, vector<1x16xf32>,
      %scan3A_113 = arith.constant 0 : i32
      scf.yield %scan3A_113 : i32
    }
    %scan3A_12 = arith.constant 64 : i32
    %scan3A_13 = arith.constant 0 : i32
    %scan3A_14 = arith.constant 0 : i32
    %scan3A_15 = arith.constant 128 : i32
    %scan3A_16 = arith.addi %scan3A_14, %scan3A_15 : i32
    %scan3A_17 = arith.constant 1 : i32
    %scan3A_18 = scf.for %scan3A_72 = %scan3A_14 to %scan3A_16 step %scan3A_17 iter_args(%scan3A_73 = %scan3A_13) -> (i32)  : i32 {
      %swap3A = arith.index_cast %scan3A_72 : i32 to index
      %swap3A_74 = arith.constant 0 : index
      %swap3A_75 = tpu.vector_load %arg5[%swap3A, %swap3A_74] {strides = array<i32>} : memref<128x128xf32, #tpu.memory_space<vmem>>, vector<1x16xf32>,
      %swap3A_76 = vector.shape_cast %swap3A_75 : vector<1x16xf32> to vector<16xf32>
      %swap3A_77 = vector.shape_cast %select_n3A : vector<16xf32> to vector<1x16xf32>
      tpu.vector_store %arg5[%swap3A, %swap3A_74], %swap3A_77 {strides = array<i32>} : memref<128x128xf32, #tpu.memory_space<vmem>>, vector<1x16xf32>,
      %swap3A_78 = arith.index_cast %scan3A_72 : i32 to index
      %swap3A_79 = arith.constant 16 : index
      %swap3A_80 = tpu.vector_load %arg5[%swap3A_78, %swap3A_79] {strides = array<i32>} : memref<128x128xf32, #tpu.memory_space<vmem>>, vector<1x16xf32>,
      %swap3A_81 = vector.shape_cast %swap3A_80 : vector<1x16xf32> to vector<16xf32>
      %swap3A_82 = vector.shape_cast %broadcast_in_dim3A_1 : vector<16xf32> to vector<1x16xf32>
      tpu.vector_store %arg5[%swap3A_78, %swap3A_79], %swap3A_82 {strides = array<i32>} : memref<128x128xf32, #tpu.memory_space<vmem>>, vector<1x16xf32>,
      %swap3A_83 = arith.index_cast %scan3A_72 : i32 to index
      %swap3A_84 = arith.constant 32 : index
      %swap3A_85 = tpu.vector_load %arg5[%swap3A_83, %swap3A_84] {strides = array<i32>} : memref<128x128xf32, #tpu.memory_space<vmem>>, vector<1x16xf32>,
      %swap3A_86 = vector.shape_cast %swap3A_85 : vector<1x16xf32> to vector<16xf32>
      %swap3A_87 = vector.shape_cast %broadcast_in_dim3A_1 : vector<16xf32> to vector<1x16xf32>
      tpu.vector_store %arg5[%swap3A_83, %swap3A_84], %swap3A_87 {strides = array<i32>} : memref<128x128xf32, #tpu.memory_space<vmem>>, vector<1x16xf32>,
      %swap3A_88 = arith.index_cast %scan3A_72 : i32 to index
      %swap3A_89 = arith.constant 48 : index
      %swap3A_90 = tpu.vector_load %arg5[%swap3A_88, %swap3A_89] {strides = array<i32>} : memref<128x128xf32, #tpu.memory_space<vmem>>, vector<1x16xf32>,
      %swap3A_91 = vector.shape_cast %swap3A_90 : vector<1x16xf32> to vector<16xf32>
      %swap3A_92 = vector.shape_cast %broadcast_in_dim3A_1 : vector<16xf32> to vector<1x16xf32>
      tpu.vector_store %arg5[%swap3A_88, %swap3A_89], %swap3A_92 {strides = array<i32>} : memref<128x128xf32, #tpu.memory_space<vmem>>, vector<1x16xf32>,
      %swap3A_93 = arith.index_cast %scan3A_72 : i32 to index
      %swap3A_94 = arith.constant 64 : index
      %swap3A_95 = tpu.vector_load %arg5[%swap3A_93, %swap3A_94] {strides = array<i32>} : memref<128x128xf32, #tpu.memory_space<vmem>>, vector<1x16xf32>,
      %swap3A_96 = vector.shape_cast %swap3A_95 : vector<1x16xf32> to vector<16xf32>
      %swap3A_97 = vector.shape_cast %broadcast_in_dim3A_1 : vector<16xf32> to vector<1x16xf32>
      tpu.vector_store %arg5[%swap3A_93, %swap3A_94], %swap3A_97 {strides = array<i32>} : memref<128x128xf32, #tpu.memory_space<vmem>>, vector<1x16xf32>,
      %swap3A_98 = arith.index_cast %scan3A_72 : i32 to index
      %swap3A_99 = arith.constant 80 : index
      %swap3A_100 = tpu.vector_load %arg5[%swap3A_98, %swap3A_99] {strides = array<i32>} : memref<128x128xf32, #tpu.memory_space<vmem>>, vector<1x16xf32>,
      %swap3A_101 = vector.shape_cast %swap3A_100 : vector<1x16xf32> to vector<16xf32>
      %swap3A_102 = vector.shape_cast %broadcast_in_dim3A_1 : vector<16xf32> to vector<1x16xf32>
      tpu.vector_store %arg5[%swap3A_98, %swap3A_99], %swap3A_102 {strides = array<i32>} : memref<128x128xf32, #tpu.memory_space<vmem>>, vector<1x16xf32>,
      %swap3A_103 = arith.index_cast %scan3A_72 : i32 to index
      %swap3A_104 = arith.constant 96 : index
      %swap3A_105 = tpu.vector_load %arg5[%swap3A_103, %swap3A_104] {strides = array<i32>} : memref<128x128xf32, #tpu.memory_space<vmem>>, vector<1x16xf32>,
      %swap3A_106 = vector.shape_cast %swap3A_105 : vector<1x16xf32> to vector<16xf32>
      %swap3A_107 = vector.shape_cast %broadcast_in_dim3A_1 : vector<16xf32> to vector<1x16xf32>
      tpu.vector_store %arg5[%swap3A_103, %swap3A_104], %swap3A_107 {strides = array<i32>} : memref<128x128xf32, #tpu.memory_space<vmem>>, vector<1x16xf32>,
      %swap3A_108 = arith.index_cast %scan3A_72 : i32 to index
      %swap3A_109 = arith.constant 112 : index
      %swap3A_110 = tpu.vector_load %arg5[%swap3A_108, %swap3A_109] {strides = array<i32>} : memref<128x128xf32, #tpu.memory_space<vmem>>, vector<1x16xf32>,
      %swap3A_111 = vector.shape_cast %swap3A_110 : vector<1x16xf32> to vector<16xf32>
      %swap3A_112 = vector.shape_cast %broadcast_in_dim3A_1 : vector<16xf32> to vector<1x16xf32>
      tpu.vector_store %arg5[%swap3A_108, %swap3A_109], %swap3A_112 {strides = array<i32>} : memref<128x128xf32, #tpu.memory_space<vmem>>, vector<1x16xf32>,
      %scan3A_113 = arith.constant 0 : i32
      scf.yield %scan3A_113 : i32
    }
    %scan3A_19 = arith.constant 128 : i32
    %mul3A_20 = arith.constant 640 : i32
    %mul3A_21 = arith.muli %arg1, %mul3A_20 : i32
    %add3A_22 = arith.constant 0 : i32
    %add3A_23 = arith.addi %mul3A_21, %add3A_22 : i32
    "tpu.region"() ({
      %run_scoped3A = tpu.sem_alloc : memref<!tpu.dma_semaphore, #tpu.memory_space<semaphore_mem>>
      %dma_start3A = arith.constant 0 : i32
      %dma_start3A_72 = tpu.memref_slice %arg7[%add3A_23, %dma_start3A] : memref<10240x128xf32, #tpu.memory_space<vmem_shared>> -> memref<64x128xf32, #tpu.memory_space<vmem_shared>>
      %dma_start3A_73 = arith.constant 0 : i32
      %dma_start3A_74 = tpu.memref_slice %arg7[%add3A_23, %dma_start3A_73] : memref<10240x128xf32, #tpu.memory_space<vmem_shared>> -> memref<64x128xf32, #tpu.memory_space<vmem_shared>>
      tpu.enqueue_dma source(%arg6 : memref<64x128xf32, #tpu.memory_space<vmem>>) target(%dma_start3A_74 : memref<64x128xf32, #tpu.memory_space<vmem_shared>>) target_semaphore(%run_scoped3A : memref<!tpu.dma_semaphore, #tpu.memory_space<semaphore_mem>>)
      %dma_wait3A = arith.constant 0 : i32
      %dma_wait3A_75 = tpu.memref_slice %arg7[%add3A_23, %dma_wait3A] : memref<10240x128xf32, #tpu.memory_space<vmem_shared>> -> memref<64x128xf32, #tpu.memory_space<vmem_shared>>
      %dma_wait3A_76 = arith.constant 0 : i32
      %dma_wait3A_77 = tpu.memref_slice %arg7[%add3A_23, %dma_wait3A_76] : memref<10240x128xf32, #tpu.memory_space<vmem_shared>> -> memref<64x128xf32, #tpu.memory_space<vmem_shared>>
      tpu.wait_dma2 semaphore(%run_scoped3A : memref<!tpu.dma_semaphore, #tpu.memory_space<semaphore_mem>>) src(%arg6 : memref<64x128xf32, #tpu.memory_space<vmem>>) dst(%dma_wait3A_77 : memref<64x128xf32, #tpu.memory_space<vmem_shared>>)
      tpu.yield
    }) : () -> ()
    %mul3A_24 = arith.constant 640 : i32
    %mul3A_25 = arith.muli %arg1, %mul3A_24 : i32
    %add3A_26 = arith.constant 64 : i32
    %add3A_27 = arith.addi %mul3A_25, %add3A_26 : i32
    "tpu.region"() ({
      %run_scoped3A = tpu.sem_alloc : memref<!tpu.dma_semaphore, #tpu.memory_space<semaphore_mem>>
      %dma_start3A = arith.constant 0 : i32
      %dma_start3A_72 = tpu.memref_slice %arg7[%add3A_27, %dma_start3A] : memref<10240x128xf32, #tpu.memory_space<vmem_shared>> -> memref<64x128xf32, #tpu.memory_space<vmem_shared>>
      %dma_start3A_73 = arith.constant 0 : i32
      %dma_start3A_74 = tpu.memref_slice %arg7[%add3A_27, %dma_start3A_73] : memref<10240x128xf32, #tpu.memory_space<vmem_shared>> -> memref<64x128xf32, #tpu.memory_space<vmem_shared>>
      tpu.enqueue_dma source(%arg6 : memref<64x128xf32, #tpu.memory_space<vmem>>) target(%dma_start3A_74 : memref<64x128xf32, #tpu.memory_space<vmem_shared>>) target_semaphore(%run_scoped3A : memref<!tpu.dma_semaphore, #tpu.memory_space<semaphore_mem>>)
      %dma_wait3A = arith.constant 0 : i32
      %dma_wait3A_75 = tpu.memref_slice %arg7[%add3A_27, %dma_wait3A] : memref<10240x128xf32, #tpu.memory_space<vmem_shared>> -> memref<64x128xf32, #tpu.memory_space<vmem_shared>>
      %dma_wait3A_76 = arith.constant 0 : i32
      %dma_wait3A_77 = tpu.memref_slice %arg7[%add3A_27, %dma_wait3A_76] : memref<10240x128xf32, #tpu.memory_space<vmem_shared>> -> memref<64x128xf32, #tpu.memory_space<vmem_shared>>
      tpu.wait_dma2 semaphore(%run_scoped3A : memref<!tpu.dma_semaphore, #tpu.memory_space<semaphore_mem>>) src(%arg6 : memref<64x128xf32, #tpu.memory_space<vmem>>) dst(%dma_wait3A_77 : memref<64x128xf32, #tpu.memory_space<vmem_shared>>)
      tpu.yield
    }) : () -> ()
    %mul3A_28 = arith.constant 640 : i32
    %mul3A_29 = arith.muli %arg1, %mul3A_28 : i32
    %add3A_30 = arith.constant 128 : i32
    %add3A_31 = arith.addi %mul3A_29, %add3A_30 : i32
    "tpu.region"() ({
      %run_scoped3A = tpu.sem_alloc : memref<!tpu.dma_semaphore, #tpu.memory_space<semaphore_mem>>
      %dma_start3A = arith.constant 0 : i32
      %dma_start3A_72 = tpu.memref_slice %arg7[%add3A_31, %dma_start3A] : memref<10240x128xf32, #tpu.memory_space<vmem_shared>> -> memref<64x128xf32, #tpu.memory_space<vmem_shared>>
      %dma_start3A_73 = arith.constant 0 : i32
      %dma_start3A_74 = tpu.memref_slice %arg7[%add3A_31, %dma_start3A_73] : memref<10240x128xf32, #tpu.memory_space<vmem_shared>> -> memref<64x128xf32, #tpu.memory_space<vmem_shared>>
      tpu.enqueue_dma source(%arg6 : memref<64x128xf32, #tpu.memory_space<vmem>>) target(%dma_start3A_74 : memref<64x128xf32, #tpu.memory_space<vmem_shared>>) target_semaphore(%run_scoped3A : memref<!tpu.dma_semaphore, #tpu.memory_space<semaphore_mem>>)
      %dma_wait3A = arith.constant 0 : i32
      %dma_wait3A_75 = tpu.memref_slice %arg7[%add3A_31, %dma_wait3A] : memref<10240x128xf32, #tpu.memory_space<vmem_shared>> -> memref<64x128xf32, #tpu.memory_space<vmem_shared>>
      %dma_wait3A_76 = arith.constant 0 : i32
      %dma_wait3A_77 = tpu.memref_slice %arg7[%add3A_31, %dma_wait3A_76] : memref<10240x128xf32, #tpu.memory_space<vmem_shared>> -> memref<64x128xf32, #tpu.memory_space<vmem_shared>>
      tpu.wait_dma2 semaphore(%run_scoped3A : memref<!tpu.dma_semaphore, #tpu.memory_space<semaphore_mem>>) src(%arg6 : memref<64x128xf32, #tpu.memory_space<vmem>>) dst(%dma_wait3A_77 : memref<64x128xf32, #tpu.memory_space<vmem_shared>>)
      tpu.yield
    }) : () -> ()
    %mul3A_32 = arith.constant 640 : i32
    %mul3A_33 = arith.muli %arg1, %mul3A_32 : i32
    %add3A_34 = arith.constant 192 : i32
    %add3A_35 = arith.addi %mul3A_33, %add3A_34 : i32
    "tpu.region"() ({
      %run_scoped3A = tpu.sem_alloc : memref<!tpu.dma_semaphore, #tpu.memory_space<semaphore_mem>>
      %dma_start3A = arith.constant 0 : i32
      %dma_start3A_72 = tpu.memref_slice %arg7[%add3A_35, %dma_start3A] : memref<10240x128xf32, #tpu.memory_space<vmem_shared>> -> memref<64x128xf32, #tpu.memory_space<vmem_shared>>
      %dma_start3A_73 = arith.constant 0 : i32
      %dma_start3A_74 = tpu.memref_slice %arg7[%add3A_35, %dma_start3A_73] : memref<10240x128xf32, #tpu.memory_space<vmem_shared>> -> memref<64x128xf32, #tpu.memory_space<vmem_shared>>
      tpu.enqueue_dma source(%arg6 : memref<64x128xf32, #tpu.memory_space<vmem>>) target(%dma_start3A_74 : memref<64x128xf32, #tpu.memory_space<vmem_shared>>) target_semaphore(%run_scoped3A : memref<!tpu.dma_semaphore, #tpu.memory_space<semaphore_mem>>)
      %dma_wait3A = arith.constant 0 : i32
      %dma_wait3A_75 = tpu.memref_slice %arg7[%add3A_35, %dma_wait3A] : memref<10240x128xf32, #tpu.memory_space<vmem_shared>> -> memref<64x128xf32, #tpu.memory_space<vmem_shared>>
      %dma_wait3A_76 = arith.constant 0 : i32
      %dma_wait3A_77 = tpu.memref_slice %arg7[%add3A_35, %dma_wait3A_76] : memref<10240x128xf32, #tpu.memory_space<vmem_shared>> -> memref<64x128xf32, #tpu.memory_space<vmem_shared>>
      tpu.wait_dma2 semaphore(%run_scoped3A : memref<!tpu.dma_semaphore, #tpu.memory_space<semaphore_mem>>) src(%arg6 : memref<64x128xf32, #tpu.memory_space<vmem>>) dst(%dma_wait3A_77 : memref<64x128xf32, #tpu.memory_space<vmem_shared>>)
      tpu.yield
    }) : () -> ()
    %mul3A_36 = arith.constant 640 : i32
    %mul3A_37 = arith.muli %arg1, %mul3A_36 : i32
    %add3A_38 = arith.constant 256 : i32
    %add3A_39 = arith.addi %mul3A_37, %add3A_38 : i32
    "tpu.region"() ({
      %run_scoped3A = tpu.sem_alloc : memref<!tpu.dma_semaphore, #tpu.memory_space<semaphore_mem>>
      %dma_start3A = arith.constant 0 : i32
      %dma_start3A_72 = tpu.memref_slice %arg7[%add3A_39, %dma_start3A] : memref<10240x128xf32, #tpu.memory_space<vmem_shared>> -> memref<64x128xf32, #tpu.memory_space<vmem_shared>>
      %dma_start3A_73 = arith.constant 0 : i32
      %dma_start3A_74 = tpu.memref_slice %arg7[%add3A_39, %dma_start3A_73] : memref<10240x128xf32, #tpu.memory_space<vmem_shared>> -> memref<64x128xf32, #tpu.memory_space<vmem_shared>>
      tpu.enqueue_dma source(%arg6 : memref<64x128xf32, #tpu.memory_space<vmem>>) target(%dma_start3A_74 : memref<64x128xf32, #tpu.memory_space<vmem_shared>>) target_semaphore(%run_scoped3A : memref<!tpu.dma_semaphore, #tpu.memory_space<semaphore_mem>>)
      %dma_wait3A = arith.constant 0 : i32
      %dma_wait3A_75 = tpu.memref_slice %arg7[%add3A_39, %dma_wait3A] : memref<10240x128xf32, #tpu.memory_space<vmem_shared>> -> memref<64x128xf32, #tpu.memory_space<vmem_shared>>
      %dma_wait3A_76 = arith.constant 0 : i32
      %dma_wait3A_77 = tpu.memref_slice %arg7[%add3A_39, %dma_wait3A_76] : memref<10240x128xf32, #tpu.memory_space<vmem_shared>> -> memref<64x128xf32, #tpu.memory_space<vmem_shared>>
      tpu.wait_dma2 semaphore(%run_scoped3A : memref<!tpu.dma_semaphore, #tpu.memory_space<semaphore_mem>>) src(%arg6 : memref<64x128xf32, #tpu.memory_space<vmem>>) dst(%dma_wait3A_77 : memref<64x128xf32, #tpu.memory_space<vmem_shared>>)
      tpu.yield
    }) : () -> ()
    %mul3A_40 = arith.constant 640 : i32
    %mul3A_41 = arith.muli %arg1, %mul3A_40 : i32
    %add3A_42 = arith.constant 320 : i32
    %add3A_43 = arith.addi %mul3A_41, %add3A_42 : i32
    "tpu.region"() ({
      %run_scoped3A = tpu.sem_alloc : memref<!tpu.dma_semaphore, #tpu.memory_space<semaphore_mem>>
      %dma_start3A = arith.constant 0 : i32
      %dma_start3A_72 = tpu.memref_slice %arg7[%add3A_43, %dma_start3A] : memref<10240x128xf32, #tpu.memory_space<vmem_shared>> -> memref<64x128xf32, #tpu.memory_space<vmem_shared>>
      %dma_start3A_73 = arith.constant 0 : i32
      %dma_start3A_74 = tpu.memref_slice %arg7[%add3A_43, %dma_start3A_73] : memref<10240x128xf32, #tpu.memory_space<vmem_shared>> -> memref<64x128xf32, #tpu.memory_space<vmem_shared>>
      tpu.enqueue_dma source(%arg6 : memref<64x128xf32, #tpu.memory_space<vmem>>) target(%dma_start3A_74 : memref<64x128xf32, #tpu.memory_space<vmem_shared>>) target_semaphore(%run_scoped3A : memref<!tpu.dma_semaphore, #tpu.memory_space<semaphore_mem>>)
      %dma_wait3A = arith.constant 0 : i32
      %dma_wait3A_75 = tpu.memref_slice %arg7[%add3A_43, %dma_wait3A] : memref<10240x128xf32, #tpu.memory_space<vmem_shared>> -> memref<64x128xf32, #tpu.memory_space<vmem_shared>>
      %dma_wait3A_76 = arith.constant 0 : i32
      %dma_wait3A_77 = tpu.memref_slice %arg7[%add3A_43, %dma_wait3A_76] : memref<10240x128xf32, #tpu.memory_space<vmem_shared>> -> memref<64x128xf32, #tpu.memory_space<vmem_shared>>
      tpu.wait_dma2 semaphore(%run_scoped3A : memref<!tpu.dma_semaphore, #tpu.memory_space<semaphore_mem>>) src(%arg6 : memref<64x128xf32, #tpu.memory_space<vmem>>) dst(%dma_wait3A_77 : memref<64x128xf32, #tpu.memory_space<vmem_shared>>)
      tpu.yield
    }) : () -> ()
    %mul3A_44 = arith.constant 640 : i32
    %mul3A_45 = arith.muli %arg1, %mul3A_44 : i32
    %add3A_46 = arith.constant 384 : i32
    %add3A_47 = arith.addi %mul3A_45, %add3A_46 : i32
    "tpu.region"() ({
      %run_scoped3A = tpu.sem_alloc : memref<!tpu.dma_semaphore, #tpu.memory_space<semaphore_mem>>
      %dma_start3A = arith.constant 0 : i32
      %dma_start3A_72 = tpu.memref_slice %arg7[%add3A_47, %dma_start3A] : memref<10240x128xf32, #tpu.memory_space<vmem_shared>> -> memref<64x128xf32, #tpu.memory_space<vmem_shared>>
      %dma_start3A_73 = arith.constant 0 : i32
      %dma_start3A_74 = tpu.memref_slice %arg7[%add3A_47, %dma_start3A_73] : memref<10240x128xf32, #tpu.memory_space<vmem_shared>> -> memref<64x128xf32, #tpu.memory_space<vmem_shared>>
      tpu.enqueue_dma source(%arg6 : memref<64x128xf32, #tpu.memory_space<vmem>>) target(%dma_start3A_74 : memref<64x128xf32, #tpu.memory_space<vmem_shared>>) target_semaphore(%run_scoped3A : memref<!tpu.dma_semaphore, #tpu.memory_space<semaphore_mem>>)
      %dma_wait3A = arith.constant 0 : i32
      %dma_wait3A_75 = tpu.memref_slice %arg7[%add3A_47, %dma_wait3A] : memref<10240x128xf32, #tpu.memory_space<vmem_shared>> -> memref<64x128xf32, #tpu.memory_space<vmem_shared>>
      %dma_wait3A_76 = arith.constant 0 : i32
      %dma_wait3A_77 = tpu.memref_slice %arg7[%add3A_47, %dma_wait3A_76] : memref<10240x128xf32, #tpu.memory_space<vmem_shared>> -> memref<64x128xf32, #tpu.memory_space<vmem_shared>>
      tpu.wait_dma2 semaphore(%run_scoped3A : memref<!tpu.dma_semaphore, #tpu.memory_space<semaphore_mem>>) src(%arg6 : memref<64x128xf32, #tpu.memory_space<vmem>>) dst(%dma_wait3A_77 : memref<64x128xf32, #tpu.memory_space<vmem_shared>>)
      tpu.yield
    }) : () -> ()
    %mul3A_48 = arith.constant 640 : i32
    %mul3A_49 = arith.muli %arg1, %mul3A_48 : i32
    %add3A_50 = arith.constant 448 : i32
    %add3A_51 = arith.addi %mul3A_49, %add3A_50 : i32
    "tpu.region"() ({
      %run_scoped3A = tpu.sem_alloc : memref<!tpu.dma_semaphore, #tpu.memory_space<semaphore_mem>>
      %dma_start3A = arith.constant 0 : i32
      %dma_start3A_72 = tpu.memref_slice %arg7[%add3A_51, %dma_start3A] : memref<10240x128xf32, #tpu.memory_space<vmem_shared>> -> memref<64x128xf32, #tpu.memory_space<vmem_shared>>
      %dma_start3A_73 = arith.constant 0 : i32
      %dma_start3A_74 = tpu.memref_slice %arg7[%add3A_51, %dma_start3A_73] : memref<10240x128xf32, #tpu.memory_space<vmem_shared>> -> memref<64x128xf32, #tpu.memory_space<vmem_shared>>
      tpu.enqueue_dma source(%arg6 : memref<64x128xf32, #tpu.memory_space<vmem>>) target(%dma_start3A_74 : memref<64x128xf32, #tpu.memory_space<vmem_shared>>) target_semaphore(%run_scoped3A : memref<!tpu.dma_semaphore, #tpu.memory_space<semaphore_mem>>)
      %dma_wait3A = arith.constant 0 : i32
      %dma_wait3A_75 = tpu.memref_slice %arg7[%add3A_51, %dma_wait3A] : memref<10240x128xf32, #tpu.memory_space<vmem_shared>> -> memref<64x128xf32, #tpu.memory_space<vmem_shared>>
      %dma_wait3A_76 = arith.constant 0 : i32
      %dma_wait3A_77 = tpu.memref_slice %arg7[%add3A_51, %dma_wait3A_76] : memref<10240x128xf32, #tpu.memory_space<vmem_shared>> -> memref<64x128xf32, #tpu.memory_space<vmem_shared>>
      tpu.wait_dma2 semaphore(%run_scoped3A : memref<!tpu.dma_semaphore, #tpu.memory_space<semaphore_mem>>) src(%arg6 : memref<64x128xf32, #tpu.memory_space<vmem>>) dst(%dma_wait3A_77 : memref<64x128xf32, #tpu.memory_space<vmem_shared>>)
      tpu.yield
    }) : () -> ()
    %mul3A_52 = arith.constant 640 : i32
    %mul3A_53 = arith.muli %arg1, %mul3A_52 : i32
    %add3A_54 = arith.constant 512 : i32
    %add3A_55 = arith.addi %mul3A_53, %add3A_54 : i32
    "tpu.region"() ({
      %run_scoped3A = tpu.sem_alloc : memref<!tpu.dma_semaphore, #tpu.memory_space<semaphore_mem>>
      %dma_start3A = arith.constant 0 : i32
      %dma_start3A_72 = tpu.memref_slice %arg7[%add3A_55, %dma_start3A] : memref<10240x128xf32, #tpu.memory_space<vmem_shared>> -> memref<64x128xf32, #tpu.memory_space<vmem_shared>>
      %dma_start3A_73 = arith.constant 0 : i32
      %dma_start3A_74 = tpu.memref_slice %arg7[%add3A_55, %dma_start3A_73] : memref<10240x128xf32, #tpu.memory_space<vmem_shared>> -> memref<64x128xf32, #tpu.memory_space<vmem_shared>>
      tpu.enqueue_dma source(%arg6 : memref<64x128xf32, #tpu.memory_space<vmem>>) target(%dma_start3A_74 : memref<64x128xf32, #tpu.memory_space<vmem_shared>>) target_semaphore(%run_scoped3A : memref<!tpu.dma_semaphore, #tpu.memory_space<semaphore_mem>>)
      %dma_wait3A = arith.constant 0 : i32
      %dma_wait3A_75 = tpu.memref_slice %arg7[%add3A_55, %dma_wait3A] : memref<10240x128xf32, #tpu.memory_space<vmem_shared>> -> memref<64x128xf32, #tpu.memory_space<vmem_shared>>
      %dma_wait3A_76 = arith.constant 0 : i32
      %dma_wait3A_77 = tpu.memref_slice %arg7[%add3A_55, %dma_wait3A_76] : memref<10240x128xf32, #tpu.memory_space<vmem_shared>> -> memref<64x128xf32, #tpu.memory_space<vmem_shared>>
      tpu.wait_dma2 semaphore(%run_scoped3A : memref<!tpu.dma_semaphore, #tpu.memory_space<semaphore_mem>>) src(%arg6 : memref<64x128xf32, #tpu.memory_space<vmem>>) dst(%dma_wait3A_77 : memref<64x128xf32, #tpu.memory_space<vmem_shared>>)
      tpu.yield
    }) : () -> ()
    %mul3A_56 = arith.constant 640 : i32
    %mul3A_57 = arith.muli %arg1, %mul3A_56 : i32
    %add3A_58 = arith.constant 576 : i32
    %add3A_59 = arith.addi %mul3A_57, %add3A_58 : i32
    "tpu.region"() ({
      %run_scoped3A = tpu.sem_alloc : memref<!tpu.dma_semaphore, #tpu.memory_space<semaphore_mem>>
      %dma_start3A = arith.constant 0 : i32
      %dma_start3A_72 = tpu.memref_slice %arg7[%add3A_59, %dma_start3A] : memref<10240x128xf32, #tpu.memory_space<vmem_shared>> -> memref<64x128xf32, #tpu.memory_space<vmem_shared>>
      %dma_start3A_73 = arith.constant 0 : i32
      %dma_start3A_74 = tpu.memref_slice %arg7[%add3A_59, %dma_start3A_73] : memref<10240x128xf32, #tpu.memory_space<vmem_shared>> -> memref<64x128xf32, #tpu.memory_space<vmem_shared>>
      tpu.enqueue_dma source(%arg6 : memref<64x128xf32, #tpu.memory_space<vmem>>) target(%dma_start3A_74 : memref<64x128xf32, #tpu.memory_space<vmem_shared>>) target_semaphore(%run_scoped3A : memref<!tpu.dma_semaphore, #tpu.memory_space<semaphore_mem>>)
      %dma_wait3A = arith.constant 0 : i32
      %dma_wait3A_75 = tpu.memref_slice %arg7[%add3A_59, %dma_wait3A] : memref<10240x128xf32, #tpu.memory_space<vmem_shared>> -> memref<64x128xf32, #tpu.memory_space<vmem_shared>>
      %dma_wait3A_76 = arith.constant 0 : i32
      %dma_wait3A_77 = tpu.memref_slice %arg7[%add3A_59, %dma_wait3A_76] : memref<10240x128xf32, #tpu.memory_space<vmem_shared>> -> memref<64x128xf32, #tpu.memory_space<vmem_shared>>
      tpu.wait_dma2 semaphore(%run_scoped3A : memref<!tpu.dma_semaphore, #tpu.memory_space<semaphore_mem>>) src(%arg6 : memref<64x128xf32, #tpu.memory_space<vmem>>) dst(%dma_wait3A_77 : memref<64x128xf32, #tpu.memory_space<vmem_shared>>)
      tpu.yield
    }) : () -> ()
    %barrier3A = arith.constant 0 : index
    tpu.barrier barrier_id(%barrier3A)
    "tpu.region"() ({
      %run_scoped3A = tpu.sem_alloc : memref<!tpu.dma_semaphore, #tpu.memory_space<semaphore_mem>>
      %dma_start3A = arith.constant 0 : i32
      %dma_start3A_72 = arith.constant 0 : i32
      %dma_start3A_73 = tpu.memref_slice %arg2[%add3A, %dma_start3A, %dma_start3A_72] : memref<32x79x128xi32, #tpu.memory_space<hbm>> -> memref<1x79x128xi32, #tpu.memory_space<hbm>>
      %dma_start3A_74 = tpu.memref_squeeze %dma_start3A_73 : memref<1x79x128xi32, #tpu.memory_space<hbm>> -> memref<79x128xi32, #tpu.memory_space<hbm>>
      %dma_start3A_75 = arith.constant 0 : i32
      %dma_start3A_76 = arith.constant 0 : i32
      %dma_start3A_77 = tpu.memref_slice %arg2[%add3A, %dma_start3A_75, %dma_start3A_76] : memref<32x79x128xi32, #tpu.memory_space<hbm>> -> memref<1x79x128xi32, #tpu.memory_space<hbm>>
      %dma_start3A_78 = tpu.memref_squeeze %dma_start3A_77 : memref<1x79x128xi32, #tpu.memory_space<hbm>> -> memref<79x128xi32, #tpu.memory_space<hbm>>
      tpu.enqueue_dma source(%dma_start3A_78 : memref<79x128xi32, #tpu.memory_space<hbm>>) target(%arg4 : memref<79x128xi32, #tpu.memory_space<vmem>>) target_semaphore(%run_scoped3A : memref<!tpu.dma_semaphore, #tpu.memory_space<semaphore_mem>>)
      %dma_wait3A = arith.constant 0 : i32
      %dma_wait3A_79 = arith.constant 0 : i32
      %dma_wait3A_80 = tpu.memref_slice %arg2[%add3A, %dma_wait3A, %dma_wait3A_79] : memref<32x79x128xi32, #tpu.memory_space<hbm>> -> memref<1x79x128xi32, #tpu.memory_space<hbm>>
      %dma_wait3A_81 = tpu.memref_squeeze %dma_wait3A_80 : memref<1x79x128xi32, #tpu.memory_space<hbm>> -> memref<79x128xi32, #tpu.memory_space<hbm>>
      %dma_wait3A_82 = arith.constant 0 : i32
      %dma_wait3A_83 = arith.constant 0 : i32
      %dma_wait3A_84 = tpu.memref_slice %arg2[%add3A, %dma_wait3A_82, %dma_wait3A_83] : memref<32x79x128xi32, #tpu.memory_space<hbm>> -> memref<1x79x128xi32, #tpu.memory_space<hbm>>
      %dma_wait3A_85 = tpu.memref_squeeze %dma_wait3A_84 : memref<1x79x128xi32, #tpu.memory_space<hbm>> -> memref<79x128xi32, #tpu.memory_space<hbm>>
      tpu.wait_dma2 semaphore(%run_scoped3A : memref<!tpu.dma_semaphore, #tpu.memory_space<semaphore_mem>>) src(%dma_wait3A_85 : memref<79x128xi32, #tpu.memory_space<hbm>>) dst(%arg4 : memref<79x128xi32, #tpu.memory_space<vmem>>)
      tpu.yield
    }) : () -> ()
    %scan3A_60 = arith.constant 0 : i32
    %scan3A_61 = arith.constant 0 : i32
    %scan3A_62 = arith.constant 79 : i32
    %scan3A_63 = arith.addi %scan3A_61, %scan3A_62 : i32
    %scan3A_64 = arith.constant 1 : i32
    %scan3A_65 = scf.for %scan3A_72 = %scan3A_61 to %scan3A_63 step %scan3A_64 iter_args(%scan3A_73 = %scan3A_60) -> (i32)  : i32 {
      "tpu.region"() ({
        %run_scoped3A = tpu.sem_alloc : memref<!tpu.dma_semaphore, #tpu.memory_space<semaphore_mem>>
        %dma_start3A = arith.constant 0 : i32
        %dma_start3A_75 = tpu.memref_slice %arg4[%scan3A_72, %dma_start3A] : memref<79x128xi32, #tpu.memory_space<vmem>> -> memref<1x128xi32, #tpu.memory_space<vmem>>
        %dma_start3A_76 = tpu.memref_squeeze %dma_start3A_75 : memref<1x128xi32, #tpu.memory_space<vmem>> -> memref<128xi32, #tpu.memory_space<vmem>>
        %dma_start3A_77 = arith.constant 0 : i32
        %dma_start3A_78 = arith.constant 0 : i32
        %dma_start3A_79 = tpu.memref_slice %arg7[%dma_start3A_77, %dma_start3A_78] : memref<10240x128xf32, #tpu.memory_space<vmem_shared>> -> memref<10240x128xf32, #tpu.memory_space<vmem_shared>>
        tpu.enqueue_indirect_dma source(%arg5 : memref<128x128xf32, #tpu.memory_space<vmem>>) target(%dma_start3A_79 : memref<10240x128xf32, #tpu.memory_space<vmem_shared>>) offsets(%dma_start3A_76 : memref<128xi32, #tpu.memory_space<vmem>>) semaphore(%run_scoped3A : memref<!tpu.dma_semaphore, #tpu.memory_space<semaphore_mem>>) {add = true}
        %dma_wait3A = arith.constant 0 : i32
        %dma_wait3A_80 = tpu.memref_slice %arg4[%scan3A_72, %dma_wait3A] : memref<79x128xi32, #tpu.memory_space<vmem>> -> memref<1x128xi32, #tpu.memory_space<vmem>>
        %dma_wait3A_81 = tpu.memref_squeeze %dma_wait3A_80 : memref<1x128xi32, #tpu.memory_space<vmem>> -> memref<128xi32, #tpu.memory_space<vmem>>
        %dma_wait3A_82 = arith.constant 0 : i32
        %dma_wait3A_83 = arith.constant 0 : i32
        %dma_wait3A_84 = tpu.memref_slice %arg7[%dma_wait3A_82, %dma_wait3A_83] : memref<10240x128xf32, #tpu.memory_space<vmem_shared>> -> memref<10240x128xf32, #tpu.memory_space<vmem_shared>>
        tpu.wait_indirect_dma semaphore(%run_scoped3A : memref<!tpu.dma_semaphore, #tpu.memory_space<semaphore_mem>>) src(%arg5 : memref<128x128xf32, #tpu.memory_space<vmem>>) dst(%dma_wait3A_84 : memref<10240x128xf32, #tpu.memory_space<vmem_shared>>)
        tpu.yield
      }) : () -> ()
      %scan3A_74 = arith.constant 0 : i32
      scf.yield %scan3A_74 : i32
    }
    %scan3A_66 = arith.constant 79 : i32
    %barrier3A_67 = arith.constant 0 : index
    tpu.barrier barrier_id(%barrier3A_67)
    %mul3A_68 = arith.constant 640 : i32
    %mul3A_69 = arith.muli %arg1, %mul3A_68 : i32
    %mul3A_70 = arith.constant 640 : i32
    %mul3A_71 = arith.muli %arg1, %mul3A_70 : i32
    "tpu.region"() ({
      %run_scoped3A = tpu.sem_alloc : memref<!tpu.dma_semaphore, #tpu.memory_space<semaphore_mem>>
      %dma_start3A = arith.constant 0 : i32
      %dma_start3A_72 = tpu.memref_slice %arg3[%arg0, %mul3A_71, %dma_start3A] : memref<2x10240x128xf32, #tpu.memory_space<hbm>> -> memref<1x640x128xf32, #tpu.memory_space<hbm>>
      %dma_start3A_73 = tpu.memref_squeeze %dma_start3A_72 : memref<1x640x128xf32, #tpu.memory_space<hbm>> -> memref<640x128xf32, #tpu.memory_space<hbm>>
      %dma_start3A_74 = arith.constant 0 : i32
      %dma_start3A_75 = tpu.memref_slice %arg7[%mul3A_69, %dma_start3A_74] : memref<10240x128xf32, #tpu.memory_space<vmem_shared>> -> memref<640x128xf32, #tpu.memory_space<vmem_shared>>
      tpu.enqueue_dma source(%dma_start3A_75 : memref<640x128xf32, #tpu.memory_space<vmem_shared>>) target(%dma_start3A_73 : memref<640x128xf32, #tpu.memory_space<hbm>>) target_semaphore(%run_scoped3A : memref<!tpu.dma_semaphore, #tpu.memory_space<semaphore_mem>>)
      %dma_wait3A = arith.constant 0 : i32
      %dma_wait3A_76 = tpu.memref_slice %arg3[%arg0, %mul3A_71, %dma_wait3A] : memref<2x10240x128xf32, #tpu.memory_space<hbm>> -> memref<1x640x128xf32, #tpu.memory_space<hbm>>
      %dma_wait3A_77 = tpu.memref_squeeze %dma_wait3A_76 : memref<1x640x128xf32, #tpu.memory_space<hbm>> -> memref<640x128xf32, #tpu.memory_space<hbm>>
      %dma_wait3A_78 = arith.constant 0 : i32
      %dma_wait3A_79 = tpu.memref_slice %arg7[%mul3A_69, %dma_wait3A_78] : memref<10240x128xf32, #tpu.memory_space<vmem_shared>> -> memref<640x128xf32, #tpu.memory_space<vmem_shared>>
      tpu.wait_dma2 semaphore(%run_scoped3A : memref<!tpu.dma_semaphore, #tpu.memory_space<semaphore_mem>>) src(%dma_wait3A_79 : memref<640x128xf32, #tpu.memory_space<vmem_shared>>) dst(%dma_wait3A_77 : memref<640x128xf32, #tpu.memory_space<hbm>>)
      tpu.yield
    }) : () -> ()
    return
  }
}

#map = affine_map<(d0, d1) -> (0, 0)>
#map1 = affine_map<(d0, d1) -> (0, 0, 0)>
module attributes {stable_mosaic.version = 14 : i64} {
  func.func @k(%arg0: i32, %arg1: i32, %arg2: memref<10240x128xf32, #tpu.memory_space<hbm>>, %arg3: memref<32x114x128xi32, #tpu.memory_space<hbm>>, %arg4: memref<32x114x128xi32, #tpu.memory_space<hbm>>, %arg5: memref<2x10240x128xf32, #tpu.memory_space<hbm>>, %arg6: memref<114x128xi32, #tpu.memory_space<vmem>>, %arg7: memref<114x128xi32, #tpu.memory_space<vmem>>, %arg8: memref<128x128xf32, #tpu.memory_space<vmem>>, %arg9: memref<10240x128xf32, #tpu.memory_space<vmem_shared>>, %arg10: memref<!tpu.dma_semaphore, #tpu.memory_space<semaphore_mem>>) attributes {dimension_semantics = [#tpu.dimension_semantics<core_parallel>, #tpu.dimension_semantics<subcore_parallel>], iteration_bounds = array<i64: 2, 16>, scalar_prefetch = 0 : i64, scratch_operands = 5 : i64, tpu.core_type = #tpu.core_type<sc_vector_subcore>, window_params = [{transform_indices = #map}, {transform_indices = #map1}, {transform_indices = #map1}, {transform_indices = #map1}]} {
    %mul3A = arith.constant 16 : i32
    %mul3A_0 = arith.muli %arg0, %mul3A : i32
    %add3A = arith.addi %mul3A_0, %arg1 : i32
    %broadcast_in_dim3A = arith.constant 0.000000e+00 : f32
    %broadcast_in_dim3A_1 = vector.broadcast %broadcast_in_dim3A : f32 to vector<16xf32>
    %scan3A = arith.constant 0 : i32
    %scan3A_2 = arith.constant 0 : i32
    %scan3A_3 = arith.constant 128 : i32
    %scan3A_4 = arith.addi %scan3A_2, %scan3A_3 : i32
    %scan3A_5 = arith.constant 1 : i32
    %scan3A_6 = scf.for %scan3A_42 = %scan3A_2 to %scan3A_4 step %scan3A_5 iter_args(%scan3A_43 = %scan3A) -> (i32)  : i32 {
      %swap3A = arith.index_cast %scan3A_42 : i32 to index
      %swap3A_44 = arith.constant 0 : index
      %swap3A_45 = tpu.vector_load %arg8[%swap3A, %swap3A_44] {strides = array<i32>} : memref<128x128xf32, #tpu.memory_space<vmem>>, vector<1x16xf32>,
      %swap3A_46 = vector.shape_cast %swap3A_45 : vector<1x16xf32> to vector<16xf32>
      %swap3A_47 = vector.shape_cast %broadcast_in_dim3A_1 : vector<16xf32> to vector<1x16xf32>
      tpu.vector_store %arg8[%swap3A, %swap3A_44], %swap3A_47 {strides = array<i32>} : memref<128x128xf32, #tpu.memory_space<vmem>>, vector<1x16xf32>,
      %swap3A_48 = arith.index_cast %scan3A_42 : i32 to index
      %swap3A_49 = arith.constant 16 : index
      %swap3A_50 = tpu.vector_load %arg8[%swap3A_48, %swap3A_49] {strides = array<i32>} : memref<128x128xf32, #tpu.memory_space<vmem>>, vector<1x16xf32>,
      %swap3A_51 = vector.shape_cast %swap3A_50 : vector<1x16xf32> to vector<16xf32>
      %swap3A_52 = vector.shape_cast %broadcast_in_dim3A_1 : vector<16xf32> to vector<1x16xf32>
      tpu.vector_store %arg8[%swap3A_48, %swap3A_49], %swap3A_52 {strides = array<i32>} : memref<128x128xf32, #tpu.memory_space<vmem>>, vector<1x16xf32>,
      %swap3A_53 = arith.index_cast %scan3A_42 : i32 to index
      %swap3A_54 = arith.constant 32 : index
      %swap3A_55 = tpu.vector_load %arg8[%swap3A_53, %swap3A_54] {strides = array<i32>} : memref<128x128xf32, #tpu.memory_space<vmem>>, vector<1x16xf32>,
      %swap3A_56 = vector.shape_cast %swap3A_55 : vector<1x16xf32> to vector<16xf32>
      %swap3A_57 = vector.shape_cast %broadcast_in_dim3A_1 : vector<16xf32> to vector<1x16xf32>
      tpu.vector_store %arg8[%swap3A_53, %swap3A_54], %swap3A_57 {strides = array<i32>} : memref<128x128xf32, #tpu.memory_space<vmem>>, vector<1x16xf32>,
      %swap3A_58 = arith.index_cast %scan3A_42 : i32 to index
      %swap3A_59 = arith.constant 48 : index
      %swap3A_60 = tpu.vector_load %arg8[%swap3A_58, %swap3A_59] {strides = array<i32>} : memref<128x128xf32, #tpu.memory_space<vmem>>, vector<1x16xf32>,
      %swap3A_61 = vector.shape_cast %swap3A_60 : vector<1x16xf32> to vector<16xf32>
      %swap3A_62 = vector.shape_cast %broadcast_in_dim3A_1 : vector<16xf32> to vector<1x16xf32>
      tpu.vector_store %arg8[%swap3A_58, %swap3A_59], %swap3A_62 {strides = array<i32>} : memref<128x128xf32, #tpu.memory_space<vmem>>, vector<1x16xf32>,
      %swap3A_63 = arith.index_cast %scan3A_42 : i32 to index
      %swap3A_64 = arith.constant 64 : index
      %swap3A_65 = tpu.vector_load %arg8[%swap3A_63, %swap3A_64] {strides = array<i32>} : memref<128x128xf32, #tpu.memory_space<vmem>>, vector<1x16xf32>,
      %swap3A_66 = vector.shape_cast %swap3A_65 : vector<1x16xf32> to vector<16xf32>
      %swap3A_67 = vector.shape_cast %broadcast_in_dim3A_1 : vector<16xf32> to vector<1x16xf32>
      tpu.vector_store %arg8[%swap3A_63, %swap3A_64], %swap3A_67 {strides = array<i32>} : memref<128x128xf32, #tpu.memory_space<vmem>>, vector<1x16xf32>,
      %swap3A_68 = arith.index_cast %scan3A_42 : i32 to index
      %swap3A_69 = arith.constant 80 : index
      %swap3A_70 = tpu.vector_load %arg8[%swap3A_68, %swap3A_69] {strides = array<i32>} : memref<128x128xf32, #tpu.memory_space<vmem>>, vector<1x16xf32>,
      %swap3A_71 = vector.shape_cast %swap3A_70 : vector<1x16xf32> to vector<16xf32>
      %swap3A_72 = vector.shape_cast %broadcast_in_dim3A_1 : vector<16xf32> to vector<1x16xf32>
      tpu.vector_store %arg8[%swap3A_68, %swap3A_69], %swap3A_72 {strides = array<i32>} : memref<128x128xf32, #tpu.memory_space<vmem>>, vector<1x16xf32>,
      %swap3A_73 = arith.index_cast %scan3A_42 : i32 to index
      %swap3A_74 = arith.constant 96 : index
      %swap3A_75 = tpu.vector_load %arg8[%swap3A_73, %swap3A_74] {strides = array<i32>} : memref<128x128xf32, #tpu.memory_space<vmem>>, vector<1x16xf32>,
      %swap3A_76 = vector.shape_cast %swap3A_75 : vector<1x16xf32> to vector<16xf32>
      %swap3A_77 = vector.shape_cast %broadcast_in_dim3A_1 : vector<16xf32> to vector<1x16xf32>
      tpu.vector_store %arg8[%swap3A_73, %swap3A_74], %swap3A_77 {strides = array<i32>} : memref<128x128xf32, #tpu.memory_space<vmem>>, vector<1x16xf32>,
      %swap3A_78 = arith.index_cast %scan3A_42 : i32 to index
      %swap3A_79 = arith.constant 112 : index
      %swap3A_80 = tpu.vector_load %arg8[%swap3A_78, %swap3A_79] {strides = array<i32>} : memref<128x128xf32, #tpu.memory_space<vmem>>, vector<1x16xf32>,
      %swap3A_81 = vector.shape_cast %swap3A_80 : vector<1x16xf32> to vector<16xf32>
      %swap3A_82 = vector.shape_cast %broadcast_in_dim3A_1 : vector<16xf32> to vector<1x16xf32>
      tpu.vector_store %arg8[%swap3A_78, %swap3A_79], %swap3A_82 {strides = array<i32>} : memref<128x128xf32, #tpu.memory_space<vmem>>, vector<1x16xf32>,
      %scan3A_83 = arith.constant 0 : i32
      scf.yield %scan3A_83 : i32
    }
    %scan3A_7 = arith.constant 128 : i32
    %mul3A_8 = arith.constant 640 : i32
    %mul3A_9 = arith.muli %arg1, %mul3A_8 : i32
    %add3A_10 = arith.constant 0 : i32
    %add3A_11 = arith.addi %mul3A_9, %add3A_10 : i32
    "tpu.region"() ({
      %run_scoped3A = tpu.sem_alloc : memref<!tpu.dma_semaphore, #tpu.memory_space<semaphore_mem>>
      %dma_start3A = arith.constant 0 : i32
      %dma_start3A_42 = tpu.memref_slice %arg9[%add3A_11, %dma_start3A] : memref<10240x128xf32, #tpu.memory_space<vmem_shared>> -> memref<128x128xf32, #tpu.memory_space<vmem_shared>>
      %dma_start3A_43 = arith.constant 0 : i32
      %dma_start3A_44 = tpu.memref_slice %arg9[%add3A_11, %dma_start3A_43] : memref<10240x128xf32, #tpu.memory_space<vmem_shared>> -> memref<128x128xf32, #tpu.memory_space<vmem_shared>>
      tpu.enqueue_dma source(%arg8 : memref<128x128xf32, #tpu.memory_space<vmem>>) target(%dma_start3A_44 : memref<128x128xf32, #tpu.memory_space<vmem_shared>>) target_semaphore(%run_scoped3A : memref<!tpu.dma_semaphore, #tpu.memory_space<semaphore_mem>>)
      %dma_wait3A = arith.constant 0 : i32
      %dma_wait3A_45 = tpu.memref_slice %arg9[%add3A_11, %dma_wait3A] : memref<10240x128xf32, #tpu.memory_space<vmem_shared>> -> memref<128x128xf32, #tpu.memory_space<vmem_shared>>
      %dma_wait3A_46 = arith.constant 0 : i32
      %dma_wait3A_47 = tpu.memref_slice %arg9[%add3A_11, %dma_wait3A_46] : memref<10240x128xf32, #tpu.memory_space<vmem_shared>> -> memref<128x128xf32, #tpu.memory_space<vmem_shared>>
      tpu.wait_dma2 semaphore(%run_scoped3A : memref<!tpu.dma_semaphore, #tpu.memory_space<semaphore_mem>>) src(%arg8 : memref<128x128xf32, #tpu.memory_space<vmem>>) dst(%dma_wait3A_47 : memref<128x128xf32, #tpu.memory_space<vmem_shared>>)
      tpu.yield
    }) : () -> ()
    %mul3A_12 = arith.constant 640 : i32
    %mul3A_13 = arith.muli %arg1, %mul3A_12 : i32
    %add3A_14 = arith.constant 128 : i32
    %add3A_15 = arith.addi %mul3A_13, %add3A_14 : i32
    "tpu.region"() ({
      %run_scoped3A = tpu.sem_alloc : memref<!tpu.dma_semaphore, #tpu.memory_space<semaphore_mem>>
      %dma_start3A = arith.constant 0 : i32
      %dma_start3A_42 = tpu.memref_slice %arg9[%add3A_15, %dma_start3A] : memref<10240x128xf32, #tpu.memory_space<vmem_shared>> -> memref<128x128xf32, #tpu.memory_space<vmem_shared>>
      %dma_start3A_43 = arith.constant 0 : i32
      %dma_start3A_44 = tpu.memref_slice %arg9[%add3A_15, %dma_start3A_43] : memref<10240x128xf32, #tpu.memory_space<vmem_shared>> -> memref<128x128xf32, #tpu.memory_space<vmem_shared>>
      tpu.enqueue_dma source(%arg8 : memref<128x128xf32, #tpu.memory_space<vmem>>) target(%dma_start3A_44 : memref<128x128xf32, #tpu.memory_space<vmem_shared>>) target_semaphore(%run_scoped3A : memref<!tpu.dma_semaphore, #tpu.memory_space<semaphore_mem>>)
      %dma_wait3A = arith.constant 0 : i32
      %dma_wait3A_45 = tpu.memref_slice %arg9[%add3A_15, %dma_wait3A] : memref<10240x128xf32, #tpu.memory_space<vmem_shared>> -> memref<128x128xf32, #tpu.memory_space<vmem_shared>>
      %dma_wait3A_46 = arith.constant 0 : i32
      %dma_wait3A_47 = tpu.memref_slice %arg9[%add3A_15, %dma_wait3A_46] : memref<10240x128xf32, #tpu.memory_space<vmem_shared>> -> memref<128x128xf32, #tpu.memory_space<vmem_shared>>
      tpu.wait_dma2 semaphore(%run_scoped3A : memref<!tpu.dma_semaphore, #tpu.memory_space<semaphore_mem>>) src(%arg8 : memref<128x128xf32, #tpu.memory_space<vmem>>) dst(%dma_wait3A_47 : memref<128x128xf32, #tpu.memory_space<vmem_shared>>)
      tpu.yield
    }) : () -> ()
    %mul3A_16 = arith.constant 640 : i32
    %mul3A_17 = arith.muli %arg1, %mul3A_16 : i32
    %add3A_18 = arith.constant 256 : i32
    %add3A_19 = arith.addi %mul3A_17, %add3A_18 : i32
    "tpu.region"() ({
      %run_scoped3A = tpu.sem_alloc : memref<!tpu.dma_semaphore, #tpu.memory_space<semaphore_mem>>
      %dma_start3A = arith.constant 0 : i32
      %dma_start3A_42 = tpu.memref_slice %arg9[%add3A_19, %dma_start3A] : memref<10240x128xf32, #tpu.memory_space<vmem_shared>> -> memref<128x128xf32, #tpu.memory_space<vmem_shared>>
      %dma_start3A_43 = arith.constant 0 : i32
      %dma_start3A_44 = tpu.memref_slice %arg9[%add3A_19, %dma_start3A_43] : memref<10240x128xf32, #tpu.memory_space<vmem_shared>> -> memref<128x128xf32, #tpu.memory_space<vmem_shared>>
      tpu.enqueue_dma source(%arg8 : memref<128x128xf32, #tpu.memory_space<vmem>>) target(%dma_start3A_44 : memref<128x128xf32, #tpu.memory_space<vmem_shared>>) target_semaphore(%run_scoped3A : memref<!tpu.dma_semaphore, #tpu.memory_space<semaphore_mem>>)
      %dma_wait3A = arith.constant 0 : i32
      %dma_wait3A_45 = tpu.memref_slice %arg9[%add3A_19, %dma_wait3A] : memref<10240x128xf32, #tpu.memory_space<vmem_shared>> -> memref<128x128xf32, #tpu.memory_space<vmem_shared>>
      %dma_wait3A_46 = arith.constant 0 : i32
      %dma_wait3A_47 = tpu.memref_slice %arg9[%add3A_19, %dma_wait3A_46] : memref<10240x128xf32, #tpu.memory_space<vmem_shared>> -> memref<128x128xf32, #tpu.memory_space<vmem_shared>>
      tpu.wait_dma2 semaphore(%run_scoped3A : memref<!tpu.dma_semaphore, #tpu.memory_space<semaphore_mem>>) src(%arg8 : memref<128x128xf32, #tpu.memory_space<vmem>>) dst(%dma_wait3A_47 : memref<128x128xf32, #tpu.memory_space<vmem_shared>>)
      tpu.yield
    }) : () -> ()
    %mul3A_20 = arith.constant 640 : i32
    %mul3A_21 = arith.muli %arg1, %mul3A_20 : i32
    %add3A_22 = arith.constant 384 : i32
    %add3A_23 = arith.addi %mul3A_21, %add3A_22 : i32
    "tpu.region"() ({
      %run_scoped3A = tpu.sem_alloc : memref<!tpu.dma_semaphore, #tpu.memory_space<semaphore_mem>>
      %dma_start3A = arith.constant 0 : i32
      %dma_start3A_42 = tpu.memref_slice %arg9[%add3A_23, %dma_start3A] : memref<10240x128xf32, #tpu.memory_space<vmem_shared>> -> memref<128x128xf32, #tpu.memory_space<vmem_shared>>
      %dma_start3A_43 = arith.constant 0 : i32
      %dma_start3A_44 = tpu.memref_slice %arg9[%add3A_23, %dma_start3A_43] : memref<10240x128xf32, #tpu.memory_space<vmem_shared>> -> memref<128x128xf32, #tpu.memory_space<vmem_shared>>
      tpu.enqueue_dma source(%arg8 : memref<128x128xf32, #tpu.memory_space<vmem>>) target(%dma_start3A_44 : memref<128x128xf32, #tpu.memory_space<vmem_shared>>) target_semaphore(%run_scoped3A : memref<!tpu.dma_semaphore, #tpu.memory_space<semaphore_mem>>)
      %dma_wait3A = arith.constant 0 : i32
      %dma_wait3A_45 = tpu.memref_slice %arg9[%add3A_23, %dma_wait3A] : memref<10240x128xf32, #tpu.memory_space<vmem_shared>> -> memref<128x128xf32, #tpu.memory_space<vmem_shared>>
      %dma_wait3A_46 = arith.constant 0 : i32
      %dma_wait3A_47 = tpu.memref_slice %arg9[%add3A_23, %dma_wait3A_46] : memref<10240x128xf32, #tpu.memory_space<vmem_shared>> -> memref<128x128xf32, #tpu.memory_space<vmem_shared>>
      tpu.wait_dma2 semaphore(%run_scoped3A : memref<!tpu.dma_semaphore, #tpu.memory_space<semaphore_mem>>) src(%arg8 : memref<128x128xf32, #tpu.memory_space<vmem>>) dst(%dma_wait3A_47 : memref<128x128xf32, #tpu.memory_space<vmem_shared>>)
      tpu.yield
    }) : () -> ()
    %mul3A_24 = arith.constant 640 : i32
    %mul3A_25 = arith.muli %arg1, %mul3A_24 : i32
    %add3A_26 = arith.constant 512 : i32
    %add3A_27 = arith.addi %mul3A_25, %add3A_26 : i32
    "tpu.region"() ({
      %run_scoped3A = tpu.sem_alloc : memref<!tpu.dma_semaphore, #tpu.memory_space<semaphore_mem>>
      %dma_start3A = arith.constant 0 : i32
      %dma_start3A_42 = tpu.memref_slice %arg9[%add3A_27, %dma_start3A] : memref<10240x128xf32, #tpu.memory_space<vmem_shared>> -> memref<128x128xf32, #tpu.memory_space<vmem_shared>>
      %dma_start3A_43 = arith.constant 0 : i32
      %dma_start3A_44 = tpu.memref_slice %arg9[%add3A_27, %dma_start3A_43] : memref<10240x128xf32, #tpu.memory_space<vmem_shared>> -> memref<128x128xf32, #tpu.memory_space<vmem_shared>>
      tpu.enqueue_dma source(%arg8 : memref<128x128xf32, #tpu.memory_space<vmem>>) target(%dma_start3A_44 : memref<128x128xf32, #tpu.memory_space<vmem_shared>>) target_semaphore(%run_scoped3A : memref<!tpu.dma_semaphore, #tpu.memory_space<semaphore_mem>>)
      %dma_wait3A = arith.constant 0 : i32
      %dma_wait3A_45 = tpu.memref_slice %arg9[%add3A_27, %dma_wait3A] : memref<10240x128xf32, #tpu.memory_space<vmem_shared>> -> memref<128x128xf32, #tpu.memory_space<vmem_shared>>
      %dma_wait3A_46 = arith.constant 0 : i32
      %dma_wait3A_47 = tpu.memref_slice %arg9[%add3A_27, %dma_wait3A_46] : memref<10240x128xf32, #tpu.memory_space<vmem_shared>> -> memref<128x128xf32, #tpu.memory_space<vmem_shared>>
      tpu.wait_dma2 semaphore(%run_scoped3A : memref<!tpu.dma_semaphore, #tpu.memory_space<semaphore_mem>>) src(%arg8 : memref<128x128xf32, #tpu.memory_space<vmem>>) dst(%dma_wait3A_47 : memref<128x128xf32, #tpu.memory_space<vmem_shared>>)
      tpu.yield
    }) : () -> ()
    %barrier3A = arith.constant 0 : index
    tpu.barrier barrier_id(%barrier3A)
    "tpu.region"() ({
      %run_scoped3A = tpu.sem_alloc : memref<!tpu.dma_semaphore, #tpu.memory_space<semaphore_mem>>
      %dma_start3A = arith.constant 0 : i32
      %dma_start3A_42 = arith.constant 0 : i32
      %dma_start3A_43 = tpu.memref_slice %arg3[%add3A, %dma_start3A, %dma_start3A_42] : memref<32x114x128xi32, #tpu.memory_space<hbm>> -> memref<1x114x128xi32, #tpu.memory_space<hbm>>
      %dma_start3A_44 = tpu.memref_squeeze %dma_start3A_43 : memref<1x114x128xi32, #tpu.memory_space<hbm>> -> memref<114x128xi32, #tpu.memory_space<hbm>>
      %dma_start3A_45 = arith.constant 0 : i32
      %dma_start3A_46 = arith.constant 0 : i32
      %dma_start3A_47 = tpu.memref_slice %arg3[%add3A, %dma_start3A_45, %dma_start3A_46] : memref<32x114x128xi32, #tpu.memory_space<hbm>> -> memref<1x114x128xi32, #tpu.memory_space<hbm>>
      %dma_start3A_48 = tpu.memref_squeeze %dma_start3A_47 : memref<1x114x128xi32, #tpu.memory_space<hbm>> -> memref<114x128xi32, #tpu.memory_space<hbm>>
      tpu.enqueue_dma source(%dma_start3A_48 : memref<114x128xi32, #tpu.memory_space<hbm>>) target(%arg6 : memref<114x128xi32, #tpu.memory_space<vmem>>) target_semaphore(%run_scoped3A : memref<!tpu.dma_semaphore, #tpu.memory_space<semaphore_mem>>)
      %dma_wait3A = arith.constant 0 : i32
      %dma_wait3A_49 = arith.constant 0 : i32
      %dma_wait3A_50 = tpu.memref_slice %arg3[%add3A, %dma_wait3A, %dma_wait3A_49] : memref<32x114x128xi32, #tpu.memory_space<hbm>> -> memref<1x114x128xi32, #tpu.memory_space<hbm>>
      %dma_wait3A_51 = tpu.memref_squeeze %dma_wait3A_50 : memref<1x114x128xi32, #tpu.memory_space<hbm>> -> memref<114x128xi32, #tpu.memory_space<hbm>>
      %dma_wait3A_52 = arith.constant 0 : i32
      %dma_wait3A_53 = arith.constant 0 : i32
      %dma_wait3A_54 = tpu.memref_slice %arg3[%add3A, %dma_wait3A_52, %dma_wait3A_53] : memref<32x114x128xi32, #tpu.memory_space<hbm>> -> memref<1x114x128xi32, #tpu.memory_space<hbm>>
      %dma_wait3A_55 = tpu.memref_squeeze %dma_wait3A_54 : memref<1x114x128xi32, #tpu.memory_space<hbm>> -> memref<114x128xi32, #tpu.memory_space<hbm>>
      tpu.wait_dma2 semaphore(%run_scoped3A : memref<!tpu.dma_semaphore, #tpu.memory_space<semaphore_mem>>) src(%dma_wait3A_55 : memref<114x128xi32, #tpu.memory_space<hbm>>) dst(%arg6 : memref<114x128xi32, #tpu.memory_space<vmem>>)
      tpu.yield
    }) : () -> ()
    "tpu.region"() ({
      %run_scoped3A = tpu.sem_alloc : memref<!tpu.dma_semaphore, #tpu.memory_space<semaphore_mem>>
      %dma_start3A = arith.constant 0 : i32
      %dma_start3A_42 = arith.constant 0 : i32
      %dma_start3A_43 = tpu.memref_slice %arg4[%add3A, %dma_start3A, %dma_start3A_42] : memref<32x114x128xi32, #tpu.memory_space<hbm>> -> memref<1x114x128xi32, #tpu.memory_space<hbm>>
      %dma_start3A_44 = tpu.memref_squeeze %dma_start3A_43 : memref<1x114x128xi32, #tpu.memory_space<hbm>> -> memref<114x128xi32, #tpu.memory_space<hbm>>
      %dma_start3A_45 = arith.constant 0 : i32
      %dma_start3A_46 = arith.constant 0 : i32
      %dma_start3A_47 = tpu.memref_slice %arg4[%add3A, %dma_start3A_45, %dma_start3A_46] : memref<32x114x128xi32, #tpu.memory_space<hbm>> -> memref<1x114x128xi32, #tpu.memory_space<hbm>>
      %dma_start3A_48 = tpu.memref_squeeze %dma_start3A_47 : memref<1x114x128xi32, #tpu.memory_space<hbm>> -> memref<114x128xi32, #tpu.memory_space<hbm>>
      tpu.enqueue_dma source(%dma_start3A_48 : memref<114x128xi32, #tpu.memory_space<hbm>>) target(%arg7 : memref<114x128xi32, #tpu.memory_space<vmem>>) target_semaphore(%run_scoped3A : memref<!tpu.dma_semaphore, #tpu.memory_space<semaphore_mem>>)
      %dma_wait3A = arith.constant 0 : i32
      %dma_wait3A_49 = arith.constant 0 : i32
      %dma_wait3A_50 = tpu.memref_slice %arg4[%add3A, %dma_wait3A, %dma_wait3A_49] : memref<32x114x128xi32, #tpu.memory_space<hbm>> -> memref<1x114x128xi32, #tpu.memory_space<hbm>>
      %dma_wait3A_51 = tpu.memref_squeeze %dma_wait3A_50 : memref<1x114x128xi32, #tpu.memory_space<hbm>> -> memref<114x128xi32, #tpu.memory_space<hbm>>
      %dma_wait3A_52 = arith.constant 0 : i32
      %dma_wait3A_53 = arith.constant 0 : i32
      %dma_wait3A_54 = tpu.memref_slice %arg4[%add3A, %dma_wait3A_52, %dma_wait3A_53] : memref<32x114x128xi32, #tpu.memory_space<hbm>> -> memref<1x114x128xi32, #tpu.memory_space<hbm>>
      %dma_wait3A_55 = tpu.memref_squeeze %dma_wait3A_54 : memref<1x114x128xi32, #tpu.memory_space<hbm>> -> memref<114x128xi32, #tpu.memory_space<hbm>>
      tpu.wait_dma2 semaphore(%run_scoped3A : memref<!tpu.dma_semaphore, #tpu.memory_space<semaphore_mem>>) src(%dma_wait3A_55 : memref<114x128xi32, #tpu.memory_space<hbm>>) dst(%arg7 : memref<114x128xi32, #tpu.memory_space<vmem>>)
      tpu.yield
    }) : () -> ()
    %scan3A_28 = arith.constant 0 : i32
    %scan3A_29 = arith.constant 0 : i32
    %scan3A_30 = arith.constant 44 : i32
    %scan3A_31 = arith.addi %scan3A_29, %scan3A_30 : i32
    %scan3A_32 = arith.constant 1 : i32
    %scan3A_33 = scf.for %scan3A_42 = %scan3A_29 to %scan3A_31 step %scan3A_32 iter_args(%scan3A_43 = %scan3A_28) -> (i32)  : i32 {
      %dma_start3A = arith.constant 0 : i32
      %dma_start3A_44 = tpu.memref_slice %arg6[%scan3A_42, %dma_start3A] : memref<114x128xi32, #tpu.memory_space<vmem>> -> memref<1x128xi32, #tpu.memory_space<vmem>>
      %dma_start3A_45 = tpu.memref_squeeze %dma_start3A_44 : memref<1x128xi32, #tpu.memory_space<vmem>> -> memref<128xi32, #tpu.memory_space<vmem>>
      %dma_start3A_46 = arith.constant 0 : i32
      %dma_start3A_47 = arith.constant 0 : i32
      %dma_start3A_48 = tpu.memref_slice %arg2[%dma_start3A_46, %dma_start3A_47] : memref<10240x128xf32, #tpu.memory_space<hbm>> -> memref<10240x128xf32, #tpu.memory_space<hbm>>
      tpu.enqueue_indirect_dma source(%dma_start3A_48 : memref<10240x128xf32, #tpu.memory_space<hbm>>) target(%arg8 : memref<128x128xf32, #tpu.memory_space<vmem>>) offsets(%dma_start3A_45 : memref<128xi32, #tpu.memory_space<vmem>>) semaphore(%arg10 : memref<!tpu.dma_semaphore, #tpu.memory_space<semaphore_mem>>)
      %dma_wait3A = arith.constant 0 : i32
      %dma_wait3A_49 = tpu.memref_slice %arg6[%scan3A_42, %dma_wait3A] : memref<114x128xi32, #tpu.memory_space<vmem>> -> memref<1x128xi32, #tpu.memory_space<vmem>>
      %dma_wait3A_50 = tpu.memref_squeeze %dma_wait3A_49 : memref<1x128xi32, #tpu.memory_space<vmem>> -> memref<128xi32, #tpu.memory_space<vmem>>
      %dma_wait3A_51 = arith.constant 0 : i32
      %dma_wait3A_52 = arith.constant 0 : i32
      %dma_wait3A_53 = tpu.memref_slice %arg2[%dma_wait3A_51, %dma_wait3A_52] : memref<10240x128xf32, #tpu.memory_space<hbm>> -> memref<10240x128xf32, #tpu.memory_space<hbm>>
      tpu.wait_indirect_dma semaphore(%arg10 : memref<!tpu.dma_semaphore, #tpu.memory_space<semaphore_mem>>) src(%dma_wait3A_53 : memref<10240x128xf32, #tpu.memory_space<hbm>>) dst(%arg8 : memref<128x128xf32, #tpu.memory_space<vmem>>)
      "tpu.region"() ({
        %run_scoped3A = tpu.sem_alloc : memref<!tpu.dma_semaphore, #tpu.memory_space<semaphore_mem>>
        %dma_start3A_55 = arith.constant 0 : i32
        %dma_start3A_56 = tpu.memref_slice %arg7[%scan3A_42, %dma_start3A_55] : memref<114x128xi32, #tpu.memory_space<vmem>> -> memref<1x128xi32, #tpu.memory_space<vmem>>
        %dma_start3A_57 = tpu.memref_squeeze %dma_start3A_56 : memref<1x128xi32, #tpu.memory_space<vmem>> -> memref<128xi32, #tpu.memory_space<vmem>>
        %dma_start3A_58 = arith.constant 0 : i32
        %dma_start3A_59 = arith.constant 0 : i32
        %dma_start3A_60 = tpu.memref_slice %arg9[%dma_start3A_58, %dma_start3A_59] : memref<10240x128xf32, #tpu.memory_space<vmem_shared>> -> memref<10240x128xf32, #tpu.memory_space<vmem_shared>>
        tpu.enqueue_indirect_dma source(%arg8 : memref<128x128xf32, #tpu.memory_space<vmem>>) target(%dma_start3A_60 : memref<10240x128xf32, #tpu.memory_space<vmem_shared>>) offsets(%dma_start3A_57 : memref<128xi32, #tpu.memory_space<vmem>>) semaphore(%run_scoped3A : memref<!tpu.dma_semaphore, #tpu.memory_space<semaphore_mem>>) {add = true}
        %dma_wait3A_61 = arith.constant 0 : i32
        %dma_wait3A_62 = tpu.memref_slice %arg7[%scan3A_42, %dma_wait3A_61] : memref<114x128xi32, #tpu.memory_space<vmem>> -> memref<1x128xi32, #tpu.memory_space<vmem>>
        %dma_wait3A_63 = tpu.memref_squeeze %dma_wait3A_62 : memref<1x128xi32, #tpu.memory_space<vmem>> -> memref<128xi32, #tpu.memory_space<vmem>>
        %dma_wait3A_64 = arith.constant 0 : i32
        %dma_wait3A_65 = arith.constant 0 : i32
        %dma_wait3A_66 = tpu.memref_slice %arg9[%dma_wait3A_64, %dma_wait3A_65] : memref<10240x128xf32, #tpu.memory_space<vmem_shared>> -> memref<10240x128xf32, #tpu.memory_space<vmem_shared>>
        tpu.wait_indirect_dma semaphore(%run_scoped3A : memref<!tpu.dma_semaphore, #tpu.memory_space<semaphore_mem>>) src(%arg8 : memref<128x128xf32, #tpu.memory_space<vmem>>) dst(%dma_wait3A_66 : memref<10240x128xf32, #tpu.memory_space<vmem_shared>>)
        tpu.yield
      }) : () -> ()
      %scan3A_54 = arith.constant 0 : i32
      scf.yield %scan3A_54 : i32
    }
    %scan3A_34 = arith.constant 44 : i32
    %eq3A = arith.constant 0 : i32
    %eq3A_35 = arith.cmpi eq, %arg0, %eq3A : i32
    %convert_element_type3A = arith.extui %eq3A_35 : i1 to i32
    %cond3A = arith.constant 0 : i32
    %cond3A_36 = arith.cmpi ne, %convert_element_type3A, %cond3A : i32
    scf.if %cond3A_36 {
      %scan3A_42 = arith.constant 0 : i32
      %scan3A_43 = arith.constant 44 : i32
      %scan3A_44 = arith.constant 70 : i32
      %scan3A_45 = arith.addi %scan3A_43, %scan3A_44 : i32
      %scan3A_46 = arith.constant 1 : i32
      %scan3A_47 = scf.for %scan3A_49 = %scan3A_43 to %scan3A_45 step %scan3A_46 iter_args(%scan3A_50 = %scan3A_42) -> (i32)  : i32 {
        %dma_start3A = arith.constant 0 : i32
        %dma_start3A_51 = tpu.memref_slice %arg6[%scan3A_49, %dma_start3A] : memref<114x128xi32, #tpu.memory_space<vmem>> -> memref<1x128xi32, #tpu.memory_space<vmem>>
        %dma_start3A_52 = tpu.memref_squeeze %dma_start3A_51 : memref<1x128xi32, #tpu.memory_space<vmem>> -> memref<128xi32, #tpu.memory_space<vmem>>
        %dma_start3A_53 = arith.constant 0 : i32
        %dma_start3A_54 = arith.constant 0 : i32
        %dma_start3A_55 = tpu.memref_slice %arg2[%dma_start3A_53, %dma_start3A_54] : memref<10240x128xf32, #tpu.memory_space<hbm>> -> memref<10240x128xf32, #tpu.memory_space<hbm>>
        tpu.enqueue_indirect_dma source(%dma_start3A_55 : memref<10240x128xf32, #tpu.memory_space<hbm>>) target(%arg8 : memref<128x128xf32, #tpu.memory_space<vmem>>) offsets(%dma_start3A_52 : memref<128xi32, #tpu.memory_space<vmem>>) semaphore(%arg10 : memref<!tpu.dma_semaphore, #tpu.memory_space<semaphore_mem>>)
        %dma_wait3A = arith.constant 0 : i32
        %dma_wait3A_56 = tpu.memref_slice %arg6[%scan3A_49, %dma_wait3A] : memref<114x128xi32, #tpu.memory_space<vmem>> -> memref<1x128xi32, #tpu.memory_space<vmem>>
        %dma_wait3A_57 = tpu.memref_squeeze %dma_wait3A_56 : memref<1x128xi32, #tpu.memory_space<vmem>> -> memref<128xi32, #tpu.memory_space<vmem>>
        %dma_wait3A_58 = arith.constant 0 : i32
        %dma_wait3A_59 = arith.constant 0 : i32
        %dma_wait3A_60 = tpu.memref_slice %arg2[%dma_wait3A_58, %dma_wait3A_59] : memref<10240x128xf32, #tpu.memory_space<hbm>> -> memref<10240x128xf32, #tpu.memory_space<hbm>>
        tpu.wait_indirect_dma semaphore(%arg10 : memref<!tpu.dma_semaphore, #tpu.memory_space<semaphore_mem>>) src(%dma_wait3A_60 : memref<10240x128xf32, #tpu.memory_space<hbm>>) dst(%arg8 : memref<128x128xf32, #tpu.memory_space<vmem>>)
        "tpu.region"() ({
          %run_scoped3A = tpu.sem_alloc : memref<!tpu.dma_semaphore, #tpu.memory_space<semaphore_mem>>
          %dma_start3A_62 = arith.constant 0 : i32
          %dma_start3A_63 = tpu.memref_slice %arg7[%scan3A_49, %dma_start3A_62] : memref<114x128xi32, #tpu.memory_space<vmem>> -> memref<1x128xi32, #tpu.memory_space<vmem>>
          %dma_start3A_64 = tpu.memref_squeeze %dma_start3A_63 : memref<1x128xi32, #tpu.memory_space<vmem>> -> memref<128xi32, #tpu.memory_space<vmem>>
          %dma_start3A_65 = arith.constant 0 : i32
          %dma_start3A_66 = arith.constant 0 : i32
          %dma_start3A_67 = tpu.memref_slice %arg9[%dma_start3A_65, %dma_start3A_66] : memref<10240x128xf32, #tpu.memory_space<vmem_shared>> -> memref<10240x128xf32, #tpu.memory_space<vmem_shared>>
          tpu.enqueue_indirect_dma source(%arg8 : memref<128x128xf32, #tpu.memory_space<vmem>>) target(%dma_start3A_67 : memref<10240x128xf32, #tpu.memory_space<vmem_shared>>) offsets(%dma_start3A_64 : memref<128xi32, #tpu.memory_space<vmem>>) semaphore(%run_scoped3A : memref<!tpu.dma_semaphore, #tpu.memory_space<semaphore_mem>>) {add = true}
          %dma_wait3A_68 = arith.constant 0 : i32
          %dma_wait3A_69 = tpu.memref_slice %arg7[%scan3A_49, %dma_wait3A_68] : memref<114x128xi32, #tpu.memory_space<vmem>> -> memref<1x128xi32, #tpu.memory_space<vmem>>
          %dma_wait3A_70 = tpu.memref_squeeze %dma_wait3A_69 : memref<1x128xi32, #tpu.memory_space<vmem>> -> memref<128xi32, #tpu.memory_space<vmem>>
          %dma_wait3A_71 = arith.constant 0 : i32
          %dma_wait3A_72 = arith.constant 0 : i32
          %dma_wait3A_73 = tpu.memref_slice %arg9[%dma_wait3A_71, %dma_wait3A_72] : memref<10240x128xf32, #tpu.memory_space<vmem_shared>> -> memref<10240x128xf32, #tpu.memory_space<vmem_shared>>
          tpu.wait_indirect_dma semaphore(%run_scoped3A : memref<!tpu.dma_semaphore, #tpu.memory_space<semaphore_mem>>) src(%arg8 : memref<128x128xf32, #tpu.memory_space<vmem>>) dst(%dma_wait3A_73 : memref<10240x128xf32, #tpu.memory_space<vmem_shared>>)
          tpu.yield
        }) : () -> ()
        %scan3A_61 = arith.constant 0 : i32
        scf.yield %scan3A_61 : i32
      }
      %scan3A_48 = arith.constant 70 : i32
    } else {
    }
    %barrier3A_37 = arith.constant 0 : index
    tpu.barrier barrier_id(%barrier3A_37)
    %mul3A_38 = arith.constant 640 : i32
    %mul3A_39 = arith.muli %arg1, %mul3A_38 : i32
    %mul3A_40 = arith.constant 640 : i32
    %mul3A_41 = arith.muli %arg1, %mul3A_40 : i32
    "tpu.region"() ({
      %run_scoped3A = tpu.sem_alloc : memref<!tpu.dma_semaphore, #tpu.memory_space<semaphore_mem>>
      %dma_start3A = arith.constant 0 : i32
      %dma_start3A_42 = tpu.memref_slice %arg5[%arg0, %mul3A_41, %dma_start3A] : memref<2x10240x128xf32, #tpu.memory_space<hbm>> -> memref<1x640x128xf32, #tpu.memory_space<hbm>>
      %dma_start3A_43 = tpu.memref_squeeze %dma_start3A_42 : memref<1x640x128xf32, #tpu.memory_space<hbm>> -> memref<640x128xf32, #tpu.memory_space<hbm>>
      %dma_start3A_44 = arith.constant 0 : i32
      %dma_start3A_45 = tpu.memref_slice %arg9[%mul3A_39, %dma_start3A_44] : memref<10240x128xf32, #tpu.memory_space<vmem_shared>> -> memref<640x128xf32, #tpu.memory_space<vmem_shared>>
      tpu.enqueue_dma source(%dma_start3A_45 : memref<640x128xf32, #tpu.memory_space<vmem_shared>>) target(%dma_start3A_43 : memref<640x128xf32, #tpu.memory_space<hbm>>) target_semaphore(%run_scoped3A : memref<!tpu.dma_semaphore, #tpu.memory_space<semaphore_mem>>)
      %dma_wait3A = arith.constant 0 : i32
      %dma_wait3A_46 = tpu.memref_slice %arg5[%arg0, %mul3A_41, %dma_wait3A] : memref<2x10240x128xf32, #tpu.memory_space<hbm>> -> memref<1x640x128xf32, #tpu.memory_space<hbm>>
      %dma_wait3A_47 = tpu.memref_squeeze %dma_wait3A_46 : memref<1x640x128xf32, #tpu.memory_space<hbm>> -> memref<640x128xf32, #tpu.memory_space<hbm>>
      %dma_wait3A_48 = arith.constant 0 : i32
      %dma_wait3A_49 = tpu.memref_slice %arg9[%mul3A_39, %dma_wait3A_48] : memref<10240x128xf32, #tpu.memory_space<vmem_shared>> -> memref<640x128xf32, #tpu.memory_space<vmem_shared>>
      tpu.wait_dma2 semaphore(%run_scoped3A : memref<!tpu.dma_semaphore, #tpu.memory_space<semaphore_mem>>) src(%dma_wait3A_49 : memref<640x128xf32, #tpu.memory_space<vmem_shared>>) dst(%dma_wait3A_47 : memref<640x128xf32, #tpu.memory_space<hbm>>)
      tpu.yield
    }) : () -> ()
    return
  }
}

#map = affine_map<(d0, d1) -> (0, 0)>
#map1 = affine_map<(d0, d1) -> (0, 0, 0)>
module attributes {stable_mosaic.version = 14 : i64} {
  func.func @k(%arg0: i32, %arg1: i32, %arg2: memref<10240x128xf32, #tpu.memory_space<hbm>>, %arg3: memref<32x114x128xi32, #tpu.memory_space<hbm>>, %arg4: memref<32x114x128xi32, #tpu.memory_space<hbm>>, %arg5: memref<2x10240x128xf32, #tpu.memory_space<hbm>>, %arg6: memref<114x128xi32, #tpu.memory_space<vmem>>, %arg7: memref<114x128xi32, #tpu.memory_space<vmem>>, %arg8: memref<128x128xf32, #tpu.memory_space<vmem>>, %arg9: memref<10240x128xf32, #tpu.memory_space<vmem_shared>>, %arg10: memref<!tpu.dma_semaphore, #tpu.memory_space<semaphore_mem>>) attributes {dimension_semantics = [#tpu.dimension_semantics<core_parallel>, #tpu.dimension_semantics<subcore_parallel>], iteration_bounds = array<i64: 2, 16>, scalar_prefetch = 0 : i64, scratch_operands = 5 : i64, tpu.core_type = #tpu.core_type<sc_vector_subcore>, window_params = [{transform_indices = #map}, {transform_indices = #map1}, {transform_indices = #map1}, {transform_indices = #map1}]} {
    %mul3A = arith.constant 16 : i32
    %mul3A_0 = arith.muli %arg0, %mul3A : i32
    %add3A = arith.addi %mul3A_0, %arg1 : i32
    %broadcast_in_dim3A = arith.constant 0.000000e+00 : f32
    %broadcast_in_dim3A_1 = vector.broadcast %broadcast_in_dim3A : f32 to vector<16xf32>
    %scan3A = arith.constant 0 : i32
    %scan3A_2 = arith.constant 0 : i32
    %scan3A_3 = arith.constant 128 : i32
    %scan3A_4 = arith.addi %scan3A_2, %scan3A_3 : i32
    %scan3A_5 = arith.constant 1 : i32
    %scan3A_6 = scf.for %scan3A_42 = %scan3A_2 to %scan3A_4 step %scan3A_5 iter_args(%scan3A_43 = %scan3A) -> (i32)  : i32 {
      %swap3A = arith.index_cast %scan3A_42 : i32 to index
      %swap3A_44 = arith.constant 0 : index
      %swap3A_45 = tpu.vector_load %arg8[%swap3A, %swap3A_44] {strides = array<i32>} : memref<128x128xf32, #tpu.memory_space<vmem>>, vector<1x16xf32>,
      %swap3A_46 = vector.shape_cast %swap3A_45 : vector<1x16xf32> to vector<16xf32>
      %swap3A_47 = vector.shape_cast %broadcast_in_dim3A_1 : vector<16xf32> to vector<1x16xf32>
      tpu.vector_store %arg8[%swap3A, %swap3A_44], %swap3A_47 {strides = array<i32>} : memref<128x128xf32, #tpu.memory_space<vmem>>, vector<1x16xf32>,
      %swap3A_48 = arith.index_cast %scan3A_42 : i32 to index
      %swap3A_49 = arith.constant 16 : index
      %swap3A_50 = tpu.vector_load %arg8[%swap3A_48, %swap3A_49] {strides = array<i32>} : memref<128x128xf32, #tpu.memory_space<vmem>>, vector<1x16xf32>,
      %swap3A_51 = vector.shape_cast %swap3A_50 : vector<1x16xf32> to vector<16xf32>
      %swap3A_52 = vector.shape_cast %broadcast_in_dim3A_1 : vector<16xf32> to vector<1x16xf32>
      tpu.vector_store %arg8[%swap3A_48, %swap3A_49], %swap3A_52 {strides = array<i32>} : memref<128x128xf32, #tpu.memory_space<vmem>>, vector<1x16xf32>,
      %swap3A_53 = arith.index_cast %scan3A_42 : i32 to index
      %swap3A_54 = arith.constant 32 : index
      %swap3A_55 = tpu.vector_load %arg8[%swap3A_53, %swap3A_54] {strides = array<i32>} : memref<128x128xf32, #tpu.memory_space<vmem>>, vector<1x16xf32>,
      %swap3A_56 = vector.shape_cast %swap3A_55 : vector<1x16xf32> to vector<16xf32>
      %swap3A_57 = vector.shape_cast %broadcast_in_dim3A_1 : vector<16xf32> to vector<1x16xf32>
      tpu.vector_store %arg8[%swap3A_53, %swap3A_54], %swap3A_57 {strides = array<i32>} : memref<128x128xf32, #tpu.memory_space<vmem>>, vector<1x16xf32>,
      %swap3A_58 = arith.index_cast %scan3A_42 : i32 to index
      %swap3A_59 = arith.constant 48 : index
      %swap3A_60 = tpu.vector_load %arg8[%swap3A_58, %swap3A_59] {strides = array<i32>} : memref<128x128xf32, #tpu.memory_space<vmem>>, vector<1x16xf32>,
      %swap3A_61 = vector.shape_cast %swap3A_60 : vector<1x16xf32> to vector<16xf32>
      %swap3A_62 = vector.shape_cast %broadcast_in_dim3A_1 : vector<16xf32> to vector<1x16xf32>
      tpu.vector_store %arg8[%swap3A_58, %swap3A_59], %swap3A_62 {strides = array<i32>} : memref<128x128xf32, #tpu.memory_space<vmem>>, vector<1x16xf32>,
      %swap3A_63 = arith.index_cast %scan3A_42 : i32 to index
      %swap3A_64 = arith.constant 64 : index
      %swap3A_65 = tpu.vector_load %arg8[%swap3A_63, %swap3A_64] {strides = array<i32>} : memref<128x128xf32, #tpu.memory_space<vmem>>, vector<1x16xf32>,
      %swap3A_66 = vector.shape_cast %swap3A_65 : vector<1x16xf32> to vector<16xf32>
      %swap3A_67 = vector.shape_cast %broadcast_in_dim3A_1 : vector<16xf32> to vector<1x16xf32>
      tpu.vector_store %arg8[%swap3A_63, %swap3A_64], %swap3A_67 {strides = array<i32>} : memref<128x128xf32, #tpu.memory_space<vmem>>, vector<1x16xf32>,
      %swap3A_68 = arith.index_cast %scan3A_42 : i32 to index
      %swap3A_69 = arith.constant 80 : index
      %swap3A_70 = tpu.vector_load %arg8[%swap3A_68, %swap3A_69] {strides = array<i32>} : memref<128x128xf32, #tpu.memory_space<vmem>>, vector<1x16xf32>,
      %swap3A_71 = vector.shape_cast %swap3A_70 : vector<1x16xf32> to vector<16xf32>
      %swap3A_72 = vector.shape_cast %broadcast_in_dim3A_1 : vector<16xf32> to vector<1x16xf32>
      tpu.vector_store %arg8[%swap3A_68, %swap3A_69], %swap3A_72 {strides = array<i32>} : memref<128x128xf32, #tpu.memory_space<vmem>>, vector<1x16xf32>,
      %swap3A_73 = arith.index_cast %scan3A_42 : i32 to index
      %swap3A_74 = arith.constant 96 : index
      %swap3A_75 = tpu.vector_load %arg8[%swap3A_73, %swap3A_74] {strides = array<i32>} : memref<128x128xf32, #tpu.memory_space<vmem>>, vector<1x16xf32>,
      %swap3A_76 = vector.shape_cast %swap3A_75 : vector<1x16xf32> to vector<16xf32>
      %swap3A_77 = vector.shape_cast %broadcast_in_dim3A_1 : vector<16xf32> to vector<1x16xf32>
      tpu.vector_store %arg8[%swap3A_73, %swap3A_74], %swap3A_77 {strides = array<i32>} : memref<128x128xf32, #tpu.memory_space<vmem>>, vector<1x16xf32>,
      %swap3A_78 = arith.index_cast %scan3A_42 : i32 to index
      %swap3A_79 = arith.constant 112 : index
      %swap3A_80 = tpu.vector_load %arg8[%swap3A_78, %swap3A_79] {strides = array<i32>} : memref<128x128xf32, #tpu.memory_space<vmem>>, vector<1x16xf32>,
      %swap3A_81 = vector.shape_cast %swap3A_80 : vector<1x16xf32> to vector<16xf32>
      %swap3A_82 = vector.shape_cast %broadcast_in_dim3A_1 : vector<16xf32> to vector<1x16xf32>
      tpu.vector_store %arg8[%swap3A_78, %swap3A_79], %swap3A_82 {strides = array<i32>} : memref<128x128xf32, #tpu.memory_space<vmem>>, vector<1x16xf32>,
      %scan3A_83 = arith.constant 0 : i32
      scf.yield %scan3A_83 : i32
    }
    %scan3A_7 = arith.constant 128 : i32
    %mul3A_8 = arith.constant 640 : i32
    %mul3A_9 = arith.muli %arg1, %mul3A_8 : i32
    %add3A_10 = arith.constant 0 : i32
    %add3A_11 = arith.addi %mul3A_9, %add3A_10 : i32
    "tpu.region"() ({
      %run_scoped3A = tpu.sem_alloc : memref<!tpu.dma_semaphore, #tpu.memory_space<semaphore_mem>>
      %dma_start3A = arith.constant 0 : i32
      %dma_start3A_42 = tpu.memref_slice %arg9[%add3A_11, %dma_start3A] : memref<10240x128xf32, #tpu.memory_space<vmem_shared>> -> memref<128x128xf32, #tpu.memory_space<vmem_shared>>
      %dma_start3A_43 = arith.constant 0 : i32
      %dma_start3A_44 = tpu.memref_slice %arg9[%add3A_11, %dma_start3A_43] : memref<10240x128xf32, #tpu.memory_space<vmem_shared>> -> memref<128x128xf32, #tpu.memory_space<vmem_shared>>
      tpu.enqueue_dma source(%arg8 : memref<128x128xf32, #tpu.memory_space<vmem>>) target(%dma_start3A_44 : memref<128x128xf32, #tpu.memory_space<vmem_shared>>) target_semaphore(%run_scoped3A : memref<!tpu.dma_semaphore, #tpu.memory_space<semaphore_mem>>)
      %dma_wait3A = arith.constant 0 : i32
      %dma_wait3A_45 = tpu.memref_slice %arg9[%add3A_11, %dma_wait3A] : memref<10240x128xf32, #tpu.memory_space<vmem_shared>> -> memref<128x128xf32, #tpu.memory_space<vmem_shared>>
      %dma_wait3A_46 = arith.constant 0 : i32
      %dma_wait3A_47 = tpu.memref_slice %arg9[%add3A_11, %dma_wait3A_46] : memref<10240x128xf32, #tpu.memory_space<vmem_shared>> -> memref<128x128xf32, #tpu.memory_space<vmem_shared>>
      tpu.wait_dma2 semaphore(%run_scoped3A : memref<!tpu.dma_semaphore, #tpu.memory_space<semaphore_mem>>) src(%arg8 : memref<128x128xf32, #tpu.memory_space<vmem>>) dst(%dma_wait3A_47 : memref<128x128xf32, #tpu.memory_space<vmem_shared>>)
      tpu.yield
    }) : () -> ()
    %mul3A_12 = arith.constant 640 : i32
    %mul3A_13 = arith.muli %arg1, %mul3A_12 : i32
    %add3A_14 = arith.constant 128 : i32
    %add3A_15 = arith.addi %mul3A_13, %add3A_14 : i32
    "tpu.region"() ({
      %run_scoped3A = tpu.sem_alloc : memref<!tpu.dma_semaphore, #tpu.memory_space<semaphore_mem>>
      %dma_start3A = arith.constant 0 : i32
      %dma_start3A_42 = tpu.memref_slice %arg9[%add3A_15, %dma_start3A] : memref<10240x128xf32, #tpu.memory_space<vmem_shared>> -> memref<128x128xf32, #tpu.memory_space<vmem_shared>>
      %dma_start3A_43 = arith.constant 0 : i32
      %dma_start3A_44 = tpu.memref_slice %arg9[%add3A_15, %dma_start3A_43] : memref<10240x128xf32, #tpu.memory_space<vmem_shared>> -> memref<128x128xf32, #tpu.memory_space<vmem_shared>>
      tpu.enqueue_dma source(%arg8 : memref<128x128xf32, #tpu.memory_space<vmem>>) target(%dma_start3A_44 : memref<128x128xf32, #tpu.memory_space<vmem_shared>>) target_semaphore(%run_scoped3A : memref<!tpu.dma_semaphore, #tpu.memory_space<semaphore_mem>>)
      %dma_wait3A = arith.constant 0 : i32
      %dma_wait3A_45 = tpu.memref_slice %arg9[%add3A_15, %dma_wait3A] : memref<10240x128xf32, #tpu.memory_space<vmem_shared>> -> memref<128x128xf32, #tpu.memory_space<vmem_shared>>
      %dma_wait3A_46 = arith.constant 0 : i32
      %dma_wait3A_47 = tpu.memref_slice %arg9[%add3A_15, %dma_wait3A_46] : memref<10240x128xf32, #tpu.memory_space<vmem_shared>> -> memref<128x128xf32, #tpu.memory_space<vmem_shared>>
      tpu.wait_dma2 semaphore(%run_scoped3A : memref<!tpu.dma_semaphore, #tpu.memory_space<semaphore_mem>>) src(%arg8 : memref<128x128xf32, #tpu.memory_space<vmem>>) dst(%dma_wait3A_47 : memref<128x128xf32, #tpu.memory_space<vmem_shared>>)
      tpu.yield
    }) : () -> ()
    %mul3A_16 = arith.constant 640 : i32
    %mul3A_17 = arith.muli %arg1, %mul3A_16 : i32
    %add3A_18 = arith.constant 256 : i32
    %add3A_19 = arith.addi %mul3A_17, %add3A_18 : i32
    "tpu.region"() ({
      %run_scoped3A = tpu.sem_alloc : memref<!tpu.dma_semaphore, #tpu.memory_space<semaphore_mem>>
      %dma_start3A = arith.constant 0 : i32
      %dma_start3A_42 = tpu.memref_slice %arg9[%add3A_19, %dma_start3A] : memref<10240x128xf32, #tpu.memory_space<vmem_shared>> -> memref<128x128xf32, #tpu.memory_space<vmem_shared>>
      %dma_start3A_43 = arith.constant 0 : i32
      %dma_start3A_44 = tpu.memref_slice %arg9[%add3A_19, %dma_start3A_43] : memref<10240x128xf32, #tpu.memory_space<vmem_shared>> -> memref<128x128xf32, #tpu.memory_space<vmem_shared>>
      tpu.enqueue_dma source(%arg8 : memref<128x128xf32, #tpu.memory_space<vmem>>) target(%dma_start3A_44 : memref<128x128xf32, #tpu.memory_space<vmem_shared>>) target_semaphore(%run_scoped3A : memref<!tpu.dma_semaphore, #tpu.memory_space<semaphore_mem>>)
      %dma_wait3A = arith.constant 0 : i32
      %dma_wait3A_45 = tpu.memref_slice %arg9[%add3A_19, %dma_wait3A] : memref<10240x128xf32, #tpu.memory_space<vmem_shared>> -> memref<128x128xf32, #tpu.memory_space<vmem_shared>>
      %dma_wait3A_46 = arith.constant 0 : i32
      %dma_wait3A_47 = tpu.memref_slice %arg9[%add3A_19, %dma_wait3A_46] : memref<10240x128xf32, #tpu.memory_space<vmem_shared>> -> memref<128x128xf32, #tpu.memory_space<vmem_shared>>
      tpu.wait_dma2 semaphore(%run_scoped3A : memref<!tpu.dma_semaphore, #tpu.memory_space<semaphore_mem>>) src(%arg8 : memref<128x128xf32, #tpu.memory_space<vmem>>) dst(%dma_wait3A_47 : memref<128x128xf32, #tpu.memory_space<vmem_shared>>)
      tpu.yield
    }) : () -> ()
    %mul3A_20 = arith.constant 640 : i32
    %mul3A_21 = arith.muli %arg1, %mul3A_20 : i32
    %add3A_22 = arith.constant 384 : i32
    %add3A_23 = arith.addi %mul3A_21, %add3A_22 : i32
    "tpu.region"() ({
      %run_scoped3A = tpu.sem_alloc : memref<!tpu.dma_semaphore, #tpu.memory_space<semaphore_mem>>
      %dma_start3A = arith.constant 0 : i32
      %dma_start3A_42 = tpu.memref_slice %arg9[%add3A_23, %dma_start3A] : memref<10240x128xf32, #tpu.memory_space<vmem_shared>> -> memref<128x128xf32, #tpu.memory_space<vmem_shared>>
      %dma_start3A_43 = arith.constant 0 : i32
      %dma_start3A_44 = tpu.memref_slice %arg9[%add3A_23, %dma_start3A_43] : memref<10240x128xf32, #tpu.memory_space<vmem_shared>> -> memref<128x128xf32, #tpu.memory_space<vmem_shared>>
      tpu.enqueue_dma source(%arg8 : memref<128x128xf32, #tpu.memory_space<vmem>>) target(%dma_start3A_44 : memref<128x128xf32, #tpu.memory_space<vmem_shared>>) target_semaphore(%run_scoped3A : memref<!tpu.dma_semaphore, #tpu.memory_space<semaphore_mem>>)
      %dma_wait3A = arith.constant 0 : i32
      %dma_wait3A_45 = tpu.memref_slice %arg9[%add3A_23, %dma_wait3A] : memref<10240x128xf32, #tpu.memory_space<vmem_shared>> -> memref<128x128xf32, #tpu.memory_space<vmem_shared>>
      %dma_wait3A_46 = arith.constant 0 : i32
      %dma_wait3A_47 = tpu.memref_slice %arg9[%add3A_23, %dma_wait3A_46] : memref<10240x128xf32, #tpu.memory_space<vmem_shared>> -> memref<128x128xf32, #tpu.memory_space<vmem_shared>>
      tpu.wait_dma2 semaphore(%run_scoped3A : memref<!tpu.dma_semaphore, #tpu.memory_space<semaphore_mem>>) src(%arg8 : memref<128x128xf32, #tpu.memory_space<vmem>>) dst(%dma_wait3A_47 : memref<128x128xf32, #tpu.memory_space<vmem_shared>>)
      tpu.yield
    }) : () -> ()
    %mul3A_24 = arith.constant 640 : i32
    %mul3A_25 = arith.muli %arg1, %mul3A_24 : i32
    %add3A_26 = arith.constant 512 : i32
    %add3A_27 = arith.addi %mul3A_25, %add3A_26 : i32
    "tpu.region"() ({
      %run_scoped3A = tpu.sem_alloc : memref<!tpu.dma_semaphore, #tpu.memory_space<semaphore_mem>>
      %dma_start3A = arith.constant 0 : i32
      %dma_start3A_42 = tpu.memref_slice %arg9[%add3A_27, %dma_start3A] : memref<10240x128xf32, #tpu.memory_space<vmem_shared>> -> memref<128x128xf32, #tpu.memory_space<vmem_shared>>
      %dma_start3A_43 = arith.constant 0 : i32
      %dma_start3A_44 = tpu.memref_slice %arg9[%add3A_27, %dma_start3A_43] : memref<10240x128xf32, #tpu.memory_space<vmem_shared>> -> memref<128x128xf32, #tpu.memory_space<vmem_shared>>
      tpu.enqueue_dma source(%arg8 : memref<128x128xf32, #tpu.memory_space<vmem>>) target(%dma_start3A_44 : memref<128x128xf32, #tpu.memory_space<vmem_shared>>) target_semaphore(%run_scoped3A : memref<!tpu.dma_semaphore, #tpu.memory_space<semaphore_mem>>)
      %dma_wait3A = arith.constant 0 : i32
      %dma_wait3A_45 = tpu.memref_slice %arg9[%add3A_27, %dma_wait3A] : memref<10240x128xf32, #tpu.memory_space<vmem_shared>> -> memref<128x128xf32, #tpu.memory_space<vmem_shared>>
      %dma_wait3A_46 = arith.constant 0 : i32
      %dma_wait3A_47 = tpu.memref_slice %arg9[%add3A_27, %dma_wait3A_46] : memref<10240x128xf32, #tpu.memory_space<vmem_shared>> -> memref<128x128xf32, #tpu.memory_space<vmem_shared>>
      tpu.wait_dma2 semaphore(%run_scoped3A : memref<!tpu.dma_semaphore, #tpu.memory_space<semaphore_mem>>) src(%arg8 : memref<128x128xf32, #tpu.memory_space<vmem>>) dst(%dma_wait3A_47 : memref<128x128xf32, #tpu.memory_space<vmem_shared>>)
      tpu.yield
    }) : () -> ()
    %barrier3A = arith.constant 0 : index
    tpu.barrier barrier_id(%barrier3A)
    "tpu.region"() ({
      %run_scoped3A = tpu.sem_alloc : memref<!tpu.dma_semaphore, #tpu.memory_space<semaphore_mem>>
      %dma_start3A = arith.constant 0 : i32
      %dma_start3A_42 = arith.constant 0 : i32
      %dma_start3A_43 = tpu.memref_slice %arg3[%add3A, %dma_start3A, %dma_start3A_42] : memref<32x114x128xi32, #tpu.memory_space<hbm>> -> memref<1x114x128xi32, #tpu.memory_space<hbm>>
      %dma_start3A_44 = tpu.memref_squeeze %dma_start3A_43 : memref<1x114x128xi32, #tpu.memory_space<hbm>> -> memref<114x128xi32, #tpu.memory_space<hbm>>
      %dma_start3A_45 = arith.constant 0 : i32
      %dma_start3A_46 = arith.constant 0 : i32
      %dma_start3A_47 = tpu.memref_slice %arg3[%add3A, %dma_start3A_45, %dma_start3A_46] : memref<32x114x128xi32, #tpu.memory_space<hbm>> -> memref<1x114x128xi32, #tpu.memory_space<hbm>>
      %dma_start3A_48 = tpu.memref_squeeze %dma_start3A_47 : memref<1x114x128xi32, #tpu.memory_space<hbm>> -> memref<114x128xi32, #tpu.memory_space<hbm>>
      tpu.enqueue_dma source(%dma_start3A_48 : memref<114x128xi32, #tpu.memory_space<hbm>>) target(%arg6 : memref<114x128xi32, #tpu.memory_space<vmem>>) target_semaphore(%run_scoped3A : memref<!tpu.dma_semaphore, #tpu.memory_space<semaphore_mem>>)
      %dma_wait3A = arith.constant 0 : i32
      %dma_wait3A_49 = arith.constant 0 : i32
      %dma_wait3A_50 = tpu.memref_slice %arg3[%add3A, %dma_wait3A, %dma_wait3A_49] : memref<32x114x128xi32, #tpu.memory_space<hbm>> -> memref<1x114x128xi32, #tpu.memory_space<hbm>>
      %dma_wait3A_51 = tpu.memref_squeeze %dma_wait3A_50 : memref<1x114x128xi32, #tpu.memory_space<hbm>> -> memref<114x128xi32, #tpu.memory_space<hbm>>
      %dma_wait3A_52 = arith.constant 0 : i32
      %dma_wait3A_53 = arith.constant 0 : i32
      %dma_wait3A_54 = tpu.memref_slice %arg3[%add3A, %dma_wait3A_52, %dma_wait3A_53] : memref<32x114x128xi32, #tpu.memory_space<hbm>> -> memref<1x114x128xi32, #tpu.memory_space<hbm>>
      %dma_wait3A_55 = tpu.memref_squeeze %dma_wait3A_54 : memref<1x114x128xi32, #tpu.memory_space<hbm>> -> memref<114x128xi32, #tpu.memory_space<hbm>>
      tpu.wait_dma2 semaphore(%run_scoped3A : memref<!tpu.dma_semaphore, #tpu.memory_space<semaphore_mem>>) src(%dma_wait3A_55 : memref<114x128xi32, #tpu.memory_space<hbm>>) dst(%arg6 : memref<114x128xi32, #tpu.memory_space<vmem>>)
      tpu.yield
    }) : () -> ()
    "tpu.region"() ({
      %run_scoped3A = tpu.sem_alloc : memref<!tpu.dma_semaphore, #tpu.memory_space<semaphore_mem>>
      %dma_start3A = arith.constant 0 : i32
      %dma_start3A_42 = arith.constant 0 : i32
      %dma_start3A_43 = tpu.memref_slice %arg4[%add3A, %dma_start3A, %dma_start3A_42] : memref<32x114x128xi32, #tpu.memory_space<hbm>> -> memref<1x114x128xi32, #tpu.memory_space<hbm>>
      %dma_start3A_44 = tpu.memref_squeeze %dma_start3A_43 : memref<1x114x128xi32, #tpu.memory_space<hbm>> -> memref<114x128xi32, #tpu.memory_space<hbm>>
      %dma_start3A_45 = arith.constant 0 : i32
      %dma_start3A_46 = arith.constant 0 : i32
      %dma_start3A_47 = tpu.memref_slice %arg4[%add3A, %dma_start3A_45, %dma_start3A_46] : memref<32x114x128xi32, #tpu.memory_space<hbm>> -> memref<1x114x128xi32, #tpu.memory_space<hbm>>
      %dma_start3A_48 = tpu.memref_squeeze %dma_start3A_47 : memref<1x114x128xi32, #tpu.memory_space<hbm>> -> memref<114x128xi32, #tpu.memory_space<hbm>>
      tpu.enqueue_dma source(%dma_start3A_48 : memref<114x128xi32, #tpu.memory_space<hbm>>) target(%arg7 : memref<114x128xi32, #tpu.memory_space<vmem>>) target_semaphore(%run_scoped3A : memref<!tpu.dma_semaphore, #tpu.memory_space<semaphore_mem>>)
      %dma_wait3A = arith.constant 0 : i32
      %dma_wait3A_49 = arith.constant 0 : i32
      %dma_wait3A_50 = tpu.memref_slice %arg4[%add3A, %dma_wait3A, %dma_wait3A_49] : memref<32x114x128xi32, #tpu.memory_space<hbm>> -> memref<1x114x128xi32, #tpu.memory_space<hbm>>
      %dma_wait3A_51 = tpu.memref_squeeze %dma_wait3A_50 : memref<1x114x128xi32, #tpu.memory_space<hbm>> -> memref<114x128xi32, #tpu.memory_space<hbm>>
      %dma_wait3A_52 = arith.constant 0 : i32
      %dma_wait3A_53 = arith.constant 0 : i32
      %dma_wait3A_54 = tpu.memref_slice %arg4[%add3A, %dma_wait3A_52, %dma_wait3A_53] : memref<32x114x128xi32, #tpu.memory_space<hbm>> -> memref<1x114x128xi32, #tpu.memory_space<hbm>>
      %dma_wait3A_55 = tpu.memref_squeeze %dma_wait3A_54 : memref<1x114x128xi32, #tpu.memory_space<hbm>> -> memref<114x128xi32, #tpu.memory_space<hbm>>
      tpu.wait_dma2 semaphore(%run_scoped3A : memref<!tpu.dma_semaphore, #tpu.memory_space<semaphore_mem>>) src(%dma_wait3A_55 : memref<114x128xi32, #tpu.memory_space<hbm>>) dst(%arg7 : memref<114x128xi32, #tpu.memory_space<vmem>>)
      tpu.yield
    }) : () -> ()
    %scan3A_28 = arith.constant 0 : i32
    %scan3A_29 = arith.constant 0 : i32
    %scan3A_30 = arith.constant 44 : i32
    %scan3A_31 = arith.addi %scan3A_29, %scan3A_30 : i32
    %scan3A_32 = arith.constant 1 : i32
    %scan3A_33 = scf.for %scan3A_42 = %scan3A_29 to %scan3A_31 step %scan3A_32 iter_args(%scan3A_43 = %scan3A_28) -> (i32)  : i32 {
      %dma_start3A = arith.constant 0 : i32
      %dma_start3A_44 = tpu.memref_slice %arg6[%scan3A_42, %dma_start3A] : memref<114x128xi32, #tpu.memory_space<vmem>> -> memref<1x128xi32, #tpu.memory_space<vmem>>
      %dma_start3A_45 = tpu.memref_squeeze %dma_start3A_44 : memref<1x128xi32, #tpu.memory_space<vmem>> -> memref<128xi32, #tpu.memory_space<vmem>>
      %dma_start3A_46 = arith.constant 0 : i32
      %dma_start3A_47 = arith.constant 0 : i32
      %dma_start3A_48 = tpu.memref_slice %arg2[%dma_start3A_46, %dma_start3A_47] : memref<10240x128xf32, #tpu.memory_space<hbm>> -> memref<10240x128xf32, #tpu.memory_space<hbm>>
      tpu.enqueue_indirect_dma source(%dma_start3A_48 : memref<10240x128xf32, #tpu.memory_space<hbm>>) target(%arg8 : memref<128x128xf32, #tpu.memory_space<vmem>>) offsets(%dma_start3A_45 : memref<128xi32, #tpu.memory_space<vmem>>) semaphore(%arg10 : memref<!tpu.dma_semaphore, #tpu.memory_space<semaphore_mem>>)
      %dma_wait3A = arith.constant 0 : i32
      %dma_wait3A_49 = tpu.memref_slice %arg6[%scan3A_42, %dma_wait3A] : memref<114x128xi32, #tpu.memory_space<vmem>> -> memref<1x128xi32, #tpu.memory_space<vmem>>
      %dma_wait3A_50 = tpu.memref_squeeze %dma_wait3A_49 : memref<1x128xi32, #tpu.memory_space<vmem>> -> memref<128xi32, #tpu.memory_space<vmem>>
      %dma_wait3A_51 = arith.constant 0 : i32
      %dma_wait3A_52 = arith.constant 0 : i32
      %dma_wait3A_53 = tpu.memref_slice %arg2[%dma_wait3A_51, %dma_wait3A_52] : memref<10240x128xf32, #tpu.memory_space<hbm>> -> memref<10240x128xf32, #tpu.memory_space<hbm>>
      tpu.wait_indirect_dma semaphore(%arg10 : memref<!tpu.dma_semaphore, #tpu.memory_space<semaphore_mem>>) src(%dma_wait3A_53 : memref<10240x128xf32, #tpu.memory_space<hbm>>) dst(%arg8 : memref<128x128xf32, #tpu.memory_space<vmem>>)
      "tpu.region"() ({
        %run_scoped3A = tpu.sem_alloc : memref<!tpu.dma_semaphore, #tpu.memory_space<semaphore_mem>>
        %dma_start3A_55 = arith.constant 0 : i32
        %dma_start3A_56 = tpu.memref_slice %arg7[%scan3A_42, %dma_start3A_55] : memref<114x128xi32, #tpu.memory_space<vmem>> -> memref<1x128xi32, #tpu.memory_space<vmem>>
        %dma_start3A_57 = tpu.memref_squeeze %dma_start3A_56 : memref<1x128xi32, #tpu.memory_space<vmem>> -> memref<128xi32, #tpu.memory_space<vmem>>
        %dma_start3A_58 = arith.constant 0 : i32
        %dma_start3A_59 = arith.constant 0 : i32
        %dma_start3A_60 = tpu.memref_slice %arg9[%dma_start3A_58, %dma_start3A_59] : memref<10240x128xf32, #tpu.memory_space<vmem_shared>> -> memref<10240x128xf32, #tpu.memory_space<vmem_shared>>
        tpu.enqueue_indirect_dma source(%arg8 : memref<128x128xf32, #tpu.memory_space<vmem>>) target(%dma_start3A_60 : memref<10240x128xf32, #tpu.memory_space<vmem_shared>>) offsets(%dma_start3A_57 : memref<128xi32, #tpu.memory_space<vmem>>) semaphore(%run_scoped3A : memref<!tpu.dma_semaphore, #tpu.memory_space<semaphore_mem>>) {add = true}
        %dma_wait3A_61 = arith.constant 0 : i32
        %dma_wait3A_62 = tpu.memref_slice %arg7[%scan3A_42, %dma_wait3A_61] : memref<114x128xi32, #tpu.memory_space<vmem>> -> memref<1x128xi32, #tpu.memory_space<vmem>>
        %dma_wait3A_63 = tpu.memref_squeeze %dma_wait3A_62 : memref<1x128xi32, #tpu.memory_space<vmem>> -> memref<128xi32, #tpu.memory_space<vmem>>
        %dma_wait3A_64 = arith.constant 0 : i32
        %dma_wait3A_65 = arith.constant 0 : i32
        %dma_wait3A_66 = tpu.memref_slice %arg9[%dma_wait3A_64, %dma_wait3A_65] : memref<10240x128xf32, #tpu.memory_space<vmem_shared>> -> memref<10240x128xf32, #tpu.memory_space<vmem_shared>>
        tpu.wait_indirect_dma semaphore(%run_scoped3A : memref<!tpu.dma_semaphore, #tpu.memory_space<semaphore_mem>>) src(%arg8 : memref<128x128xf32, #tpu.memory_space<vmem>>) dst(%dma_wait3A_66 : memref<10240x128xf32, #tpu.memory_space<vmem_shared>>)
        tpu.yield
      }) : () -> ()
      %scan3A_54 = arith.constant 0 : i32
      scf.yield %scan3A_54 : i32
    }
    %scan3A_34 = arith.constant 44 : i32
    %eq3A = arith.constant 0 : i32
    %eq3A_35 = arith.cmpi eq, %arg0, %eq3A : i32
    %convert_element_type3A = arith.extui %eq3A_35 : i1 to i32
    %cond3A = arith.constant 0 : i32
    %cond3A_36 = arith.cmpi ne, %convert_element_type3A, %cond3A : i32
    scf.if %cond3A_36 {
      %scan3A_42 = arith.constant 0 : i32
      %scan3A_43 = arith.constant 44 : i32
      %scan3A_44 = arith.constant 70 : i32
      %scan3A_45 = arith.addi %scan3A_43, %scan3A_44 : i32
      %scan3A_46 = arith.constant 1 : i32
      %scan3A_47 = scf.for %scan3A_49 = %scan3A_43 to %scan3A_45 step %scan3A_46 iter_args(%scan3A_50 = %scan3A_42) -> (i32)  : i32 {
        %dma_start3A = arith.constant 0 : i32
        %dma_start3A_51 = tpu.memref_slice %arg6[%scan3A_49, %dma_start3A] : memref<114x128xi32, #tpu.memory_space<vmem>> -> memref<1x128xi32, #tpu.memory_space<vmem>>
        %dma_start3A_52 = tpu.memref_squeeze %dma_start3A_51 : memref<1x128xi32, #tpu.memory_space<vmem>> -> memref<128xi32, #tpu.memory_space<vmem>>
        %dma_start3A_53 = arith.constant 0 : i32
        %dma_start3A_54 = arith.constant 0 : i32
        %dma_start3A_55 = tpu.memref_slice %arg2[%dma_start3A_53, %dma_start3A_54] : memref<10240x128xf32, #tpu.memory_space<hbm>> -> memref<10240x128xf32, #tpu.memory_space<hbm>>
        tpu.enqueue_indirect_dma source(%dma_start3A_55 : memref<10240x128xf32, #tpu.memory_space<hbm>>) target(%arg8 : memref<128x128xf32, #tpu.memory_space<vmem>>) offsets(%dma_start3A_52 : memref<128xi32, #tpu.memory_space<vmem>>) semaphore(%arg10 : memref<!tpu.dma_semaphore, #tpu.memory_space<semaphore_mem>>)
        %dma_wait3A = arith.constant 0 : i32
        %dma_wait3A_56 = tpu.memref_slice %arg6[%scan3A_49, %dma_wait3A] : memref<114x128xi32, #tpu.memory_space<vmem>> -> memref<1x128xi32, #tpu.memory_space<vmem>>
        %dma_wait3A_57 = tpu.memref_squeeze %dma_wait3A_56 : memref<1x128xi32, #tpu.memory_space<vmem>> -> memref<128xi32, #tpu.memory_space<vmem>>
        %dma_wait3A_58 = arith.constant 0 : i32
        %dma_wait3A_59 = arith.constant 0 : i32
        %dma_wait3A_60 = tpu.memref_slice %arg2[%dma_wait3A_58, %dma_wait3A_59] : memref<10240x128xf32, #tpu.memory_space<hbm>> -> memref<10240x128xf32, #tpu.memory_space<hbm>>
        tpu.wait_indirect_dma semaphore(%arg10 : memref<!tpu.dma_semaphore, #tpu.memory_space<semaphore_mem>>) src(%dma_wait3A_60 : memref<10240x128xf32, #tpu.memory_space<hbm>>) dst(%arg8 : memref<128x128xf32, #tpu.memory_space<vmem>>)
        "tpu.region"() ({
          %run_scoped3A = tpu.sem_alloc : memref<!tpu.dma_semaphore, #tpu.memory_space<semaphore_mem>>
          %dma_start3A_62 = arith.constant 0 : i32
          %dma_start3A_63 = tpu.memref_slice %arg7[%scan3A_49, %dma_start3A_62] : memref<114x128xi32, #tpu.memory_space<vmem>> -> memref<1x128xi32, #tpu.memory_space<vmem>>
          %dma_start3A_64 = tpu.memref_squeeze %dma_start3A_63 : memref<1x128xi32, #tpu.memory_space<vmem>> -> memref<128xi32, #tpu.memory_space<vmem>>
          %dma_start3A_65 = arith.constant 0 : i32
          %dma_start3A_66 = arith.constant 0 : i32
          %dma_start3A_67 = tpu.memref_slice %arg9[%dma_start3A_65, %dma_start3A_66] : memref<10240x128xf32, #tpu.memory_space<vmem_shared>> -> memref<10240x128xf32, #tpu.memory_space<vmem_shared>>
          tpu.enqueue_indirect_dma source(%arg8 : memref<128x128xf32, #tpu.memory_space<vmem>>) target(%dma_start3A_67 : memref<10240x128xf32, #tpu.memory_space<vmem_shared>>) offsets(%dma_start3A_64 : memref<128xi32, #tpu.memory_space<vmem>>) semaphore(%run_scoped3A : memref<!tpu.dma_semaphore, #tpu.memory_space<semaphore_mem>>) {add = true}
          %dma_wait3A_68 = arith.constant 0 : i32
          %dma_wait3A_69 = tpu.memref_slice %arg7[%scan3A_49, %dma_wait3A_68] : memref<114x128xi32, #tpu.memory_space<vmem>> -> memref<1x128xi32, #tpu.memory_space<vmem>>
          %dma_wait3A_70 = tpu.memref_squeeze %dma_wait3A_69 : memref<1x128xi32, #tpu.memory_space<vmem>> -> memref<128xi32, #tpu.memory_space<vmem>>
          %dma_wait3A_71 = arith.constant 0 : i32
          %dma_wait3A_72 = arith.constant 0 : i32
          %dma_wait3A_73 = tpu.memref_slice %arg9[%dma_wait3A_71, %dma_wait3A_72] : memref<10240x128xf32, #tpu.memory_space<vmem_shared>> -> memref<10240x128xf32, #tpu.memory_space<vmem_shared>>
          tpu.wait_indirect_dma semaphore(%run_scoped3A : memref<!tpu.dma_semaphore, #tpu.memory_space<semaphore_mem>>) src(%arg8 : memref<128x128xf32, #tpu.memory_space<vmem>>) dst(%dma_wait3A_73 : memref<10240x128xf32, #tpu.memory_space<vmem_shared>>)
          tpu.yield
        }) : () -> ()
        %scan3A_61 = arith.constant 0 : i32
        scf.yield %scan3A_61 : i32
      }
      %scan3A_48 = arith.constant 70 : i32
    } else {
    }
    %barrier3A_37 = arith.constant 0 : index
    tpu.barrier barrier_id(%barrier3A_37)
    %mul3A_38 = arith.constant 640 : i32
    %mul3A_39 = arith.muli %arg1, %mul3A_38 : i32
    %mul3A_40 = arith.constant 640 : i32
    %mul3A_41 = arith.muli %arg1, %mul3A_40 : i32
    "tpu.region"() ({
      %run_scoped3A = tpu.sem_alloc : memref<!tpu.dma_semaphore, #tpu.memory_space<semaphore_mem>>
      %dma_start3A = arith.constant 0 : i32
      %dma_start3A_42 = tpu.memref_slice %arg5[%arg0, %mul3A_41, %dma_start3A] : memref<2x10240x128xf32, #tpu.memory_space<hbm>> -> memref<1x640x128xf32, #tpu.memory_space<hbm>>
      %dma_start3A_43 = tpu.memref_squeeze %dma_start3A_42 : memref<1x640x128xf32, #tpu.memory_space<hbm>> -> memref<640x128xf32, #tpu.memory_space<hbm>>
      %dma_start3A_44 = arith.constant 0 : i32
      %dma_start3A_45 = tpu.memref_slice %arg9[%mul3A_39, %dma_start3A_44] : memref<10240x128xf32, #tpu.memory_space<vmem_shared>> -> memref<640x128xf32, #tpu.memory_space<vmem_shared>>
      tpu.enqueue_dma source(%dma_start3A_45 : memref<640x128xf32, #tpu.memory_space<vmem_shared>>) target(%dma_start3A_43 : memref<640x128xf32, #tpu.memory_space<hbm>>) target_semaphore(%run_scoped3A : memref<!tpu.dma_semaphore, #tpu.memory_space<semaphore_mem>>)
      %dma_wait3A = arith.constant 0 : i32
      %dma_wait3A_46 = tpu.memref_slice %arg5[%arg0, %mul3A_41, %dma_wait3A] : memref<2x10240x128xf32, #tpu.memory_space<hbm>> -> memref<1x640x128xf32, #tpu.memory_space<hbm>>
      %dma_wait3A_47 = tpu.memref_squeeze %dma_wait3A_46 : memref<1x640x128xf32, #tpu.memory_space<hbm>> -> memref<640x128xf32, #tpu.memory_space<hbm>>
      %dma_wait3A_48 = arith.constant 0 : i32
      %dma_wait3A_49 = tpu.memref_slice %arg9[%mul3A_39, %dma_wait3A_48] : memref<10240x128xf32, #tpu.memory_space<vmem_shared>> -> memref<640x128xf32, #tpu.memory_space<vmem_shared>>
      tpu.wait_dma2 semaphore(%run_scoped3A : memref<!tpu.dma_semaphore, #tpu.memory_space<semaphore_mem>>) src(%dma_wait3A_49 : memref<640x128xf32, #tpu.memory_space<vmem_shared>>) dst(%dma_wait3A_47 : memref<640x128xf32, #tpu.memory_space<hbm>>)
      tpu.yield
    }) : () -> ()
    return
  }
}

module attributes {stable_mosaic.version = 14 : i64} {
  func.func @body(%arg0: i32, %arg1: memref<512x128xf32, #tpu.memory_space<vmem>>, %arg2: memref<512x128xf32, #tpu.memory_space<vmem>>, %arg3: memref<512x1xf32, #tpu.memory_space<vmem>>, %arg4: memref<512x1xf32, #tpu.memory_space<vmem>>, %arg5: memref<512x128xf32, #tpu.memory_space<vmem>>, %arg6: memref<128x128xf32, #tpu.memory_space<vmem>>, %arg7: memref<128x128xf32, #tpu.memory_space<vmem>>, %arg8: memref<1x128xf32, #tpu.memory_space<vmem>>, %arg9: memref<512x128xf32, #tpu.memory_space<vmem>>) attributes {dimension_semantics = [#tpu.dimension_semantics<arbitrary>], iteration_bounds = array<i64: 20>, scalar_prefetch = 0 : i64, scratch_operands = 0 : i64, tpu.core_type = #tpu.core_type<tc>, window_params = [{transform_indices = @transform_0, window_bounds = array<i64: 512, 128>}, {transform_indices = @transform_1, window_bounds = array<i64: 512, 128>}, {transform_indices = @transform_2, window_bounds = array<i64: 512, 1>}, {transform_indices = @transform_3, window_bounds = array<i64: 512, 1>}, {transform_indices = @transform_4, window_bounds = array<i64: 512, 128>}, {pipeline_mode = #tpu.pipeline_mode<synchronous>, transform_indices = @transform_5, window_bounds = array<i64: 128, 128>}, {pipeline_mode = #tpu.pipeline_mode<synchronous>, transform_indices = @transform_6, window_bounds = array<i64: 128, 128>}, {pipeline_mode = #tpu.pipeline_mode<synchronous>, transform_indices = @transform_7, window_bounds = array<i64: 1, 128>}, {transform_indices = @transform_8, window_bounds = array<i64: 512, 128>}]} {
    %get3A = arith.constant 0 : index
    %get3A_0 = arith.constant 0 : index
    %get3A_1 = vector.load %arg5[%get3A, %get3A_0] : memref<512x128xf32, #tpu.memory_space<vmem>>, vector<512x128xf32>
    %get3A_2 = arith.constant 0 : index
    %get3A_3 = arith.constant 0 : index
    %get3A_4 = vector.load %arg1[%get3A_2, %get3A_3] : memref<512x128xf32, #tpu.memory_space<vmem>>, vector<512x128xf32>
    %get3A_5 = arith.constant 0 : index
    %get3A_6 = arith.constant 0 : index
    %get3A_7 = vector.load %arg2[%get3A_5, %get3A_6] : memref<512x128xf32, #tpu.memory_space<vmem>>, vector<512x128xf32>
    %add3A = arith.addf %get3A_4, %get3A_7 : vector<512x128xf32>
    %add3A_8 = arith.addf %add3A, %get3A_1 : vector<512x128xf32>
    %get3A_9 = arith.constant 0 : index
    %get3A_10 = arith.constant 0 : index
    %get3A_11 = vector.load %arg3[%get3A_9, %get3A_10] : memref<512x1xf32, #tpu.memory_space<vmem>>, vector<512x1xf32>
    %get3A_12 = arith.constant 0 : index
    %get3A_13 = arith.constant 0 : index
    %get3A_14 = vector.load %arg4[%get3A_12, %get3A_13] : memref<512x1xf32, #tpu.memory_space<vmem>>, vector<512x1xf32>
    %add3A_15 = arith.addf %get3A_11, %get3A_14 : vector<512x1xf32>
    %add3A_16 = arith.constant 1.000000e+00 : f32
    %add3A_17 = vector.broadcast %add3A_16 : f32 to vector<512x1xf32>
    %add3A_18 = arith.addf %add3A_15, %add3A_17 : vector<512x1xf32>
    %div3A = arith.constant 1.000000e+00 : f32
    %div3A_19 = vector.broadcast %div3A : f32 to vector<512x1xf32>
    %div3A_20 = arith.divf %div3A_19, %add3A_18 : vector<512x1xf32>
    %mul3A = vector.broadcast %div3A_20 : vector<512x1xf32> to vector<512x128xf32>
    %mul3A_21 = arith.mulf %add3A_8, %mul3A : vector<512x128xf32>
    %get3A_22 = arith.constant 0 : index
    %get3A_23 = arith.constant 0 : index
    %get3A_24 = vector.load %arg6[%get3A_22, %get3A_23] : memref<128x128xf32, #tpu.memory_space<vmem>>, vector<128x128xf32>
    %dot_general3A = arith.constant dense<0.000000e+00> : vector<512x128xf32>
    %dot_general3A_25 = tpu.matmul %mul3A_21, %get3A_24, %dot_general3A {dimension_numbers = #tpu.dot_dimension_numbers<[1], [0], [0], [1], [0, 0, 1, 1], [], []>, transpose_lhs_hint = false} : vector<512x128xf32>, vector<128x128xf32>, vector<512x128xf32> -> vector<512x128xf32>
    %get3A_26 = arith.constant 0 : index
    %get3A_27 = arith.constant 0 : index
    %get3A_28 = vector.load %arg7[%get3A_26, %get3A_27] : memref<128x128xf32, #tpu.memory_space<vmem>>, vector<128x128xf32>
    %dot_general3A_29 = arith.constant dense<0.000000e+00> : vector<512x128xf32>
    %dot_general3A_30 = tpu.matmul %get3A_1, %get3A_28, %dot_general3A_29 {dimension_numbers = #tpu.dot_dimension_numbers<[1], [0], [0], [1], [0, 0, 1, 1], [], []>, transpose_lhs_hint = false} : vector<512x128xf32>, vector<128x128xf32>, vector<512x128xf32> -> vector<512x128xf32>
    %add3A_31 = arith.addf %dot_general3A_25, %dot_general3A_30 : vector<512x128xf32>
    %get3A_32 = arith.constant 0 : index
    %get3A_33 = arith.constant 0 : index
    %get3A_34 = vector.load %arg8[%get3A_32, %get3A_33] : memref<1x128xf32, #tpu.memory_space<vmem>>, vector<1x128xf32>
    %add3A_35 = vector.broadcast %get3A_34 : vector<1x128xf32> to vector<512x128xf32>
    %add3A_36 = arith.addf %add3A_31, %add3A_35 : vector<512x128xf32>
    %max3A = arith.constant 0.000000e+00 : f32
    %max3A_37 = vector.broadcast %max3A : f32 to vector<512x128xf32>
    %max3A_38 = arith.maximumf %add3A_36, %max3A_37 : vector<512x128xf32>
    %swap3A = arith.constant 0 : index
    %swap3A_39 = arith.constant 0 : index
    %swap3A_40 = vector.load %arg9[%swap3A, %swap3A_39] : memref<512x128xf32, #tpu.memory_space<vmem>>, vector<512x128xf32>
    tpu.vector_store %arg9[%swap3A, %swap3A_39], %max3A_38 {strides = array<i32>} : memref<512x128xf32, #tpu.memory_space<vmem>>, vector<512x128xf32>,
    return
  }
  func.func @transform_0(%arg0: i32) -> (i32, i32) {
    %c0_i32 = arith.constant 0 : i32
    %c0_i32_0 = arith.constant 0 : i32
    return %arg0, %c0_i32 : i32, i32
  }
  func.func @transform_1(%arg0: i32) -> (i32, i32) {
    %c0_i32 = arith.constant 0 : i32
    %c0_i32_0 = arith.constant 0 : i32
    return %arg0, %c0_i32 : i32, i32
  }
  func.func @transform_2(%arg0: i32) -> (i32, i32) {
    %c0_i32 = arith.constant 0 : i32
    %c0_i32_0 = arith.constant 0 : i32
    return %arg0, %c0_i32 : i32, i32
  }
  func.func @transform_3(%arg0: i32) -> (i32, i32) {
    %c0_i32 = arith.constant 0 : i32
    %c0_i32_0 = arith.constant 0 : i32
    return %arg0, %c0_i32 : i32, i32
  }
  func.func @transform_4(%arg0: i32) -> (i32, i32) {
    %c0_i32 = arith.constant 0 : i32
    %c0_i32_0 = arith.constant 0 : i32
    return %arg0, %c0_i32 : i32, i32
  }
  func.func @transform_5(%arg0: i32) -> (i32, i32) {
    %c0_i32 = arith.constant 0 : i32
    %c0_i32_0 = arith.constant 0 : i32
    %c0_i32_1 = arith.constant 0 : i32
    return %c0_i32, %c0_i32_0 : i32, i32
  }
  func.func @transform_6(%arg0: i32) -> (i32, i32) {
    %c0_i32 = arith.constant 0 : i32
    %c0_i32_0 = arith.constant 0 : i32
    %c0_i32_1 = arith.constant 0 : i32
    return %c0_i32, %c0_i32_0 : i32, i32
  }
  func.func @transform_7(%arg0: i32) -> (i32, i32) {
    %c0_i32 = arith.constant 0 : i32
    %c0_i32_0 = arith.constant 0 : i32
    %c0_i32_1 = arith.constant 0 : i32
    return %c0_i32, %c0_i32_0 : i32, i32
  }
  func.func @transform_8(%arg0: i32) -> (i32, i32) {
    %c0_i32 = arith.constant 0 : i32
    %c0_i32_0 = arith.constant 0 : i32
    return %arg0, %c0_i32 : i32, i32
  }
}

</mosaic_0001>

<sc_bundles>
// kernel: kernel.10.cloned.1.call-start
scs
__scs_entry_jumppad:
0x0: {  	(pc) =	sbr.rel $0x88, $3  }
0x1: {  	(tag) =	ssettag $0x0;
	lr =	simm.s32 $0x1  }
0x2: {  	[smem:$0x3F99] =	sst lr;
	_ =	strace $0xD0000000  }
0x3: {  	_ = 	snop  }
0x4: {  	_ = 	snop  }
0x5: {  	_ = 	snop  }
0x6: {  	_ = 	snop  }
0x7: {  	_ = 	snop  }
__scs_overlays_trampoline_lowered:
0x8: {  	[smem:$0x3FA8] =	sst s0  }
0x9: {  	[smem:$0x3FA9] =	sst s1  }
0xa: {  	[smem:$0x3FAA] =	sst s2  }
0xb: {  	[smem:$0x3FAB] =	sst s3  }
0xc: {  	[smem:$0x3FAC] =	sst s4  }
0xd: {  	[smem:$0x3FAD] =	sst s5  }
0xe: {  	[smem:$0x3FAE] =	sst s6  }
0xf: {  	[smem:$0x3FAF] =	sst s7  }
0x10: {  	[smem:$0x3FB0] =	sst s8  }
0x11: {  	[smem:$0x3FB1] =	sst s9;
	s0 =	simm.s32 @!p0 $0x0  }
0x12: {  	s1 =	sld [smem:$0x3F97];
	s0 =	simm.s32 @p0 $0x1  }
0x13: {  	[smem:$0x3FB2] =	sst s0;
	s0 =	simm.s32 @!p1 $0x0  }
0x14: {  	s2 =	sld [smem:$0x3F96];
	s0 =	simm.s32 @p1 $0x1  }
0x15: {  	[smem:$0x3FB3] =	sst s0;
	s0 =	simm.s32 @!p2 $0x0  }
0x16: {  	s3 =	sld [smem:$0x3FDB];
	s0 =	simm.s32 @p2 $0x1  }
0x17: {  	s4 =	simm.s32 $0x1BF5;
	[smem:$0x3FB5] =	sst s0  }
0x18: {  	s0 =	sld [smem:$0x3F98];
	_ =	swait.ge [sflag:s4], $0x0  }
0x19: {  	s7 =	sld [smem:$0x3F99]  }
0x1a: {  	s8 =	sadd.s32 $0xFFFFE003, lr  }
0x1b: {  	s9 =	sadd.s32 $0xFFFFFEF7, lr;
	s5 =	simm.s32 $0xFFFFFFFF;
	p2 =	slt.u32 s8, $0xFFFFF086  }
0x1c: {  	p1 =	slt.u32 s9, $0xF7A;
	s5 =	simm.s32 @!p2 $0x0  }
0x1d: {  	s5 =	simm.s32 @p1 $0x1;
	p0 =	seq.s32 s7, s2  }
0x1e: {  	s7 =	smul.u32 @!p0 $0xF7A, s2;
	p2 =	seq.s32 @!p0 s5, $0x0  }
0x1f: {  	s9 =	smul.u32 $0xF7A, s1;
	s8 =	simm.s32 @!p0 $0x1BF5;
	p2 =	por !p2, p0  }
0x20: {  	[sflag:s8] =	ssyncset.s32 @!p0 $0xFFFFF086;
	s6 =	sadd.s32 @!p0 s3, s7;
	s7 =	simm.s32 @!p0 $0x108  }
0x21: {  	s3 =	sadd.s32 s3, s9;
	s6 =	sadd.s32 @!p0 $0x88, s6;
	s7 =	simm.s32 @p2 $0x1082  }
0x22: {  	[simem:s7], [sflag:s8] =	dma.local @!p0 [hbm:s6], $0xF7A  }
0x23: {  	s9 =	sor.u32 $0xD0000000, s2;
	s6 =	simm.s32 $0x108;
	_ =	swait.ge @!p0 [sflag:s8], $0x0  }
0x24: {  	s3 =	sadd.s32 $0x88, s3;
	s6 =	simm.s32 @!p1 $0x1082;
	[sflag:s4] =	ssyncset.s32 $0xFFFFF086  }
0x25: {  	[simem:s6], [sflag:s4] =	dma.local [hbm:s3], $0xF7A  }
0x26: {  	[smem:$0x3F99] =	sst s1;
	(tag) =	ssettag s2;
	_ =	strace s9  }
0x27: {  	s1 =	sld [smem:$0x3FA9]  }
0x28: {  	s2 =	sld [smem:$0x3FAA]  }
0x29: {  	s4 =	sld [smem:$0x3FAC]  }
0x2a: {  	p0 =	seq.s32 s5, $0x0;
	s5 =	sld [smem:$0x3FAD]  }
0x2b: {  	s6 =	sld [smem:$0x3FAE]  }
0x2c: {  	s7 =	sld [smem:$0x3FAF]  }
0x2d: {  	s3 =	simm.s32 $0x108;
	s8 =	sld [smem:$0x3FB0]  }
0x2e: {  	s3 =	simm.s32 @!p0 $0x1082;
	s9 =	sld [smem:$0x3FB1]  }
0x2f: {  	lr =	sadd.s32 s0, s3;
	s0 =	sld [smem:$0x3FA8]  }
0x30: {  	s3 =	sld [smem:$0x3FAB]  }
0x31: {  	[smem:$0x3FB4] =	sst s10  }
0x32: {  	s10 =	sld [smem:$0x3FB2];
	_ =	sdelay $0x3  }
0x33: {  	p0 =	seq.s32 s10, $0x1;
	s10 =	sld [smem:$0x3FB4];
	_ =	sdelay $0x3  }
0x34: {  	[smem:$0x3FB4] =	sst s10  }
0x35: {  	s10 =	sld [smem:$0x3FB3];
	_ =	sdelay $0x3  }
0x36: {  	p1 =	seq.s32 s10, $0x1;
	s10 =	sld [smem:$0x3FB4];
	_ =	sdelay $0x3  }
0x37: {  	[smem:$0x3FB4] =	sst s10  }
0x38: {  	s10 =	sld [smem:$0x3FB5]  }
0x39: {  	_ = 	snop;
	(pc) =	sbr.ind lr, $3  }
0x3a: {  	_ = 	snop  }
0x3b: {  	_ = 	snop  }
0x3c: {  	p2 =	seq.s32 s10, $0x1;
	s10 =	sld [smem:$0x3FB4]  }
0x3d: {  	_ =	shalt  }
0x3e: {  	_ =	shalt  }
0x3f: {  	_ =	shalt  }
0x40: {  	_ =	shalt  }
0x41: {  	_ =	shalt  }
0x42: {  	_ =	shalt  }
0x43: {  	_ =	shalt  }
0x44: {  	_ =	shalt  }
0x45: {  	_ =	shalt  }
0x46: {  	_ =	shalt  }
0x47: {  	_ =	shalt  }
0x48: {  	_ =	shalt  }
0x49: {  	_ =	shalt  }
0x4a: {  	_ =	shalt  }
0x4b: {  	_ =	shalt  }
0x4c: {  	_ =	shalt  }
0x4d: {  	_ =	shalt  }
0x4e: {  	_ =	shalt  }
0x4f: {  	_ =	shalt  }
0x50: {  	_ =	shalt  }
0x51: {  	_ =	shalt  }
0x52: {  	_ =	shalt  }
0x53: {  	_ =	shalt  }
0x54: {  	_ =	shalt  }
0x55: {  	_ =	shalt  }
0x56: {  	_ =	shalt  }
0x57: {  	_ =	shalt  }
0x58: {  	_ =	shalt  }
0x59: {  	_ =	shalt  }
0x5a: {  	_ =	shalt  }
0x5b: {  	_ =	shalt  }
0x5c: {  	_ =	shalt  }
0x5d: {  	_ =	shalt  }
0x5e: {  	_ =	shalt  }
0x5f: {  	_ =	shalt  }
0x60: {  	_ =	shalt  }
0x61: {  	_ =	shalt  }
0x62: {  	_ =	shalt  }
0x63: {  	_ =	shalt  }
0x64: {  	_ =	shalt  }
0x65: {  	_ =	shalt  }
0x66: {  	_ =	shalt  }
0x67: {  	_ =	shalt  }
0x68: {  	_ =	shalt  }
0x69: {  	_ =	shalt  }
0x6a: {  	_ =	shalt  }
0x6b: {  	_ =	shalt  }
0x6c: {  	_ =	shalt  }
0x6d: {  	_ =	shalt  }
0x6e: {  	_ =	shalt  }
0x6f: {  	_ =	shalt  }
0x70: {  	_ =	shalt  }
0x71: {  	_ =	shalt  }
0x72: {  	_ =	shalt  }
0x73: {  	_ =	shalt  }
0x74: {  	_ =	shalt  }
0x75: {  	_ =	shalt  }
0x76: {  	_ =	shalt  }
0x77: {  	_ =	shalt  }
0x78: {  	_ =	shalt  }
0x79: {  	_ =	shalt  }
0x7a: {  	_ =	shalt  }
0x7b: {  	_ =	shalt  }
0x7c: {  	_ =	shalt  }
0x7d: {  	_ =	shalt  }
0x7e: {  	_ =	shalt  }
0x7f: {  	_ =	shalt  }
0x80: {  	_ =	shalt  }
0x81: {  	_ =	shalt  }
0x82: {  	_ =	shalt  }
0x83: {  	_ =	shalt  }
0x84: {  	_ =	shalt  }
0x85: {  	_ =	shalt  }
0x86: {  	_ =	shalt  }
0x87: {  	_ =	shalt  }
.Lfunc_end0:
.L_simem_size_0:
called_computation.1_lowered:
.L_overlay_start_0:
0x88: {  	s2 =	sld [smem:$0x3FD9]  }
0x89: {  	s3 =	sld [smem:$0x3FFE];
	_ =	sdelay $0x1  }
0x8a: {  	s1 =	srdreg.scid  }
0x8b: {  	s0 =	sand.u32 $0x1, s1  }
0x8c: {  	s17 =	sshll.u32 s0, $0xA;
	s2 =	sadd.s32 s3, s2  }
0x8d: {  	s2 =	sadd.s32 s2, s17  }
0x8e: {  	[smem:$0x3FC0] =	sst s2  }
0x8f: {  	_ = 	snop  }
0x90: {  	s2 =	sld [smem:$0x3FD0];
	(tm) =	ssettm $0x1  }
0x91: {  	s18 =	sld [smem:$0x3FFB];
	_ =	sdelay $0x3  }
0x92: {  	_ =	strace s18  }
0x93: {  	s3 =	sld [smem:$0x3FFC];
	_ =	sdelay $0x3  }
0x94: {  	_ =	strace s3  }
0x95: {  	s3 =	sld [smem:$0x3FFD];
	_ =	sdelay $0x3  }
0x96: {  	_ =	strace s3  }
0x97: {  	_ =	strace $0x8FFFFFFF  }
0x98: {  	s19 =	sld [smem:$0x3FDB];
	_ =	sdelay $0x1  }
0x99: {  	s4 =	simm.s32 $_scs_section_size  }
0x9a: {  	s5 =	simm.s32 $_size__tile_overlayer_lowered;
	s6 =	simm.s32 $_tile_overlayer_lowered  }
0x9b: {  	s22 =	simm.s32 $0x1BFF;
	s21 =	sshll.u32 s6, $0x1;
	s3 =	sadd.s32 s4, s19  }
0x9c: {  	s7 =	simm.s32 $0x0;
	s20 =	sshll.u32 s5, $0x1;
	s5 =	sadd.s32 s21, s3  }
0x9d: {  	[timem:s7], [sflag:s22] =	dma.local [hbm:s5], s20  }
0x9e: {  	_ =	swait.ge [sflag:s22], s20  }
0x9f: {  	s4 =	ssub.s32 $0x0, s20;
	[sflag:s22] =	ssyncset.done $0x0  }
0xa0: {  	[sflag:s22] =	ssyncadd.s32 s4;
	_ =	sdelay $0x1  }
0xa1: {  	s23 =	simm.s32 $0x1B8B  }
0xa2: {  	_ =	swait.ge [sflag:s23], $0x1  }
0xa3: {  	[sflag:s23] =	ssyncset.done $0x0  }
0xa4: {  	s25 =	simm.s32 $0x1B8E;
	s24 =	sld [smem:$0x3FFE];
	[sflag:s23] =	ssyncadd.s32 $0xFFFFFFFF  }
0xa5: {  	s26 =	simm.s32 $execute0_lowered;
	[smem:$0x3FD2] =	sst s25  }
0xa6: {  	s5 =	sshll.u32 s26, $0x1;
	_ =	strace $0x80000046;
	[dreg:$0x1] =	wrdreg $0xFFFFFFFF  }
0xa7: {  	s28 =	simm.s32 $_size_execute0_lowered;
	s3 =	sadd.s32 s3, s5;
	[dreg:$0x0] =	wrdreg $0x0  }
0xa8: {  	s5 =	sshll.u32 s28, $0x1;
	[dreg:$0x2] =	wrdreg s3  }
0xa9: {  	[dreg:$0x3] =	wrdreg s5  }
0xaa: {  	[dreg:$0x4] =	wrdreg $0xC0  }
0xab: {  	_ =	task [dreg:s7], $0x5FFFF  }
0xac: {  	[dreg:$0x1] =	wrdreg $0xFFFFFFFF  }
0xad: {  	[dreg:$0x0] =	wrdreg $0x60  }
0xae: {  	[dreg:$0x2] =	wrdreg s24  }
0xaf: {  	[dreg:$0x3] =	wrdreg s2  }
0xb0: {  	[dreg:$0x4] =	wrdreg $0xB8000  }
0xb1: {  	[dreg:$0x5] =	wrdreg $0xA  }
0xb2: {  	_ =	task.clear_ibuf [dreg:s7], $0x6FFFF;
	_ =	strace $0x90000046  }
0xb3: {  	s29 =	simm.s32 $0xA;
	_ =	strace $0x80000048  }
0xb4: {  	_ =	swait.ge [sflag:s29], $0x1  }
0xb5: {  	[sflag:s29] =	ssyncadd.s32 $0xFFFFFFFF  }
0xb6: {  	_ =	strace $0x90000048  }
0xb7: {  	_ =	sfence  }
0xb8: {  	s30 =	sld [smem:$0x0];
	_ =	sdelay $0x2  }
0xb9: {  	s31 =	sshll.u32 s1, $0xD;
	s1 =	sshrl.u32 s1, $0x2  }
0xba: {  	s3 =	sand.u32 $0x4000, s31;
	s1 =	sadd.s32 s1, s30  }
0xbb: {  	s0 =	sor.u32 s3, s0;
	s1 =	sshll.u32 s1, $0x11  }
0xbc: {  	s0 =	sor.u32 s1, s0  }
0xbd: {  	s0 =	sadd.s32 $0x8F2B, s0  }
0xbe: {  	[sflag:s0] =	ssyncadd.remote.s32 $0x1  }
0xbf: {  	_ =	sfence.sel $0xFFFF  }
0xc0: {  	[dreg:$0x0] =	wrdreg $0xFFFFFFFF;
	(pc) =	sbr.abs _section_cstart, $3  }
0xc1: {  	[dreg:$0x1] =	wrdreg $0xFFFFFFFF  }
0xc2: {  	_ =	task.clear_ibuf [dreg:s7], $0x2FFFF;
	_ =	strace $0x9FFFFFFF  }
0xc3: {  	(tm) =	ssettm $0x7FFFFFFF  }
tec
execute0_lowered:
.L_overlay_start_1:
0x0: {  	(tag) =	ssettag $0x1  }
0x1: {  	s5 =	rddreg [dreg:$0x0]  }
0x2: {  	s11 =	rddreg [dreg:$0x1]  }
0x3: {  	s0 =	srdreg.scid;
	s2 =	rddreg [dreg:$0x2];
	s3 =	simm.s32 $0x0  }
0x4: {  	s15 =	simm.s32 $0x2;
	s16 =	simm.s32 $0x3C00;
	s19 =	sand.u32 $0x1, s0  }
0x5: {  	s17 =	simm.s32 $0x80;
	s0 =	stileid.u32;
	s6 =	smul.u32 $0x140000, s19  }
0x6: {  	s18 =	simm.s32 $0x1;
	[smem:$0x7FF] =	sst s3;
	s7 =	smul.u32 $0x14000, s0  }
0x7: {  	s4 =	sadd.s32 $0x1C00, s5;
	s1 =	sshll.u32 s19, $0x4;
	s8 =	smul.u32 $0x50000, s0  }
0x8: {  	s30 =	ssub.s32 $0x2, s19;
	s20 =	sshll.u32 s0, $0x6;
	p0 =	sne.s32 s19, $0x0  }
0x9: {  	s1 =	sor.u32 s0, s1;
	s31 =	sshrl.u32 s30, $0x1;
	s19 =	sor.u32 $0x1C02, s20  }
0xa: {  	s12 =	smul.u32 $0x780, s1;
	s1 =	rddreg [dreg:$0x3];
	_ =	strace $0x80000047  }
0xb: {  	s6 =	sadd.s32 s7, s6;
	s8 =	sshrl.u32 s8, $0x2;
	s14 =	ssub.s32 s30, s31  }
.Ltmp0:
0xc: {  	s6 =	sshrl.u32 s6, $0x3;
	s10 =	sadd.s32 s12, s5;
	(pc) =	sbr.rel .LBB2_1-.Ltmp0, $4  }
0xd: {  	s13 =	sadd.s32 s6, s5;
	s5 =	sadd.s32 s8, s2;
	s11 =	sadd.s32 s11, s12  }
0xe: {  	s6 =	sadd.s32 $0x4000, s5;
	s7 =	sadd.s32 $0x8000, s5;
	s8 =	sadd.s32 $0xC000, s5  }
0xf: {  	s9 =	sadd.s32 $0x10000, s5;
	s10 =	sadd.s32 $0x29C00, s10;
	s12 =	sadd.s32 $0x38C00, s13  }
0x10: {  	v0 =	vimm.f32 $0.0e+00;
	s13 =	smax.u32 s14, $0x1;
	s14 =	simm.s32 $0x7800;
	s20 =	sshrl.u32 s5, $0x3  }
.LBB2_8:
0x11: {  	s21 =	sshra.s32 s21, $0x2;
	[sflag:s15] =	ssyncadd.s32 $0xFFFFC000  }
0x12: {  	[tilespmem:s14], [sflag:$0x1] =	stream.indirect.gather [hbm4b:s4+s17], $0x80, s21, s17, $0xb8;
	[tilespmem:$0x1F800] =	vst v63  }
0x13: {  	_ =	swait.ge [sflag:s18], $0x4000  }
0x14: {  	[sflag:s18] =	ssyncset.done $0x0  }
0x15: {  	s21 =	sadd.s32 $0x3C00, s21;
	[sflag:s18] =	ssyncadd.s32 $0xFFFFC000  }
0x16: {  	[spmem:s2] =	stream.indirect.scatter.add.f32 [tilespmem:s14], [sflag:$0x2], $0x80, s21, s17, $0xb8;
	[tilespmem:$0x1F800] =	vst v63  }
0x17: {  	_ =	swait.ge [sflag:s15], $0x4000  }
0x18: {  	[sflag:s15] =	ssyncset.done $0x0  }
0x19: {  	[sflag:s15] =	ssyncadd.s32 $0xFFFFC000  }
.LBB2_9:
0x1a: {  	s3 =	sadd.s32 $0x1, s3  }
0x1b: {  	p1 =	sne.s32 s3, s13  }
.Ltmp1:
0x1c: {  	[bflag:$0x0] =	sbarrier.arrive $0xFFFF;
	(pc) =	sbr.rel @!p1 .LBB2_10-.Ltmp1, $4  }
0x1d: {  	[hbm:s12], [sflag:s19] =	dma.local [spmem:s20], $0x2800  }
0x1e: {  	_ =	swait.ge [sflag:s15], $0x2800  }
0x1f: {  	[sflag:s15] =	ssyncset.done $0x0  }
0x20: {  	[sflag:s15] =	ssyncadd.s32 $0xFFFFD800  }
.LBB2_1:
0x21: {  	s21 =	simm.s32 $0x0;
	s22 =	simm.s32 $0x200  }
.LBB2_2:
0x22: {  	p1 =	sne.s32 s22, $0xFE00;
	[tilespmem:s21+$0x7870] =	vst v0  }
0x23: {  	[tilespmem:s21+$0x7800] =	vst v0  }
0x24: {  	[tilespmem:s21+$0x7810] =	vst v0  }
.Ltmp2:
0x25: {  	[tilespmem:s21+$0x7820] =	vst v0;
	(pc) =	sbr.rel @p1 .LBB2_2-.Ltmp2, $4  }
0x26: {  	[tilespmem:s21+$0x7830] =	vst v0  }
0x27: {  	[tilespmem:s21+$0x7840] =	vst v0  }
0x28: {  	[tilespmem:s21+$0x7850] =	vst v0  }
0x29: {  	[tilespmem:s21+$0x7860] =	vst v0;
	s21 =	sshra.s32 s22, $0x2;
	s22 =	sadd.s32 $0x200, s22  }
0x2a: {  	[tilespmem:s21+$0x7870] =	vst v0  }
0x2b: {  	[tilespmem:s21+$0x7800] =	vst v0  }
0x2c: {  	[tilespmem:s21+$0x7810] =	vst v0  }
0x2d: {  	[tilespmem:s21+$0x7820] =	vst v0  }
0x2e: {  	[tilespmem:s21+$0x7830] =	vst v0  }
0x2f: {  	[tilespmem:s21+$0x7840] =	vst v0  }
0x30: {  	[tilespmem:s21+$0x7850] =	vst v0  }
0x31: {  	[tilespmem:s21+$0x7860] =	vst v0  }
0x32: {  	[spmem:s5] =	stream.linear.scatter [tilespmem:s14], [sflag:$0x2], $0x4000, $0x38;
	[tilespmem:$0x1F800] =	vst v63  }
0x33: {  	_ =	swait.ge [sflag:s15], $0x4000  }
0x34: {  	[sflag:s15] =	ssyncset.done $0x0  }
0x35: {  	[sflag:s15] =	ssyncadd.s32 $0xFFFFC000  }
0x36: {  	[spmem:s6] =	stream.linear.scatter [tilespmem:s14], [sflag:$0x2], $0x4000, $0x38;
	[tilespmem:$0x1F800] =	vst v63  }
0x37: {  	_ =	swait.ge [sflag:s15], $0x4000  }
0x38: {  	[sflag:s15] =	ssyncset.done $0x0  }
0x39: {  	[sflag:s15] =	ssyncadd.s32 $0xFFFFC000  }
0x3a: {  	[spmem:s7] =	stream.linear.scatter [tilespmem:s14], [sflag:$0x2], $0x4000, $0x38;
	[tilespmem:$0x1F800] =	vst v63  }
0x3b: {  	_ =	swait.ge [sflag:s15], $0x4000  }
0x3c: {  	[sflag:s15] =	ssyncset.done $0x0  }
0x3d: {  	[sflag:s15] =	ssyncadd.s32 $0xFFFFC000  }
0x3e: {  	[spmem:s8] =	stream.linear.scatter [tilespmem:s14], [sflag:$0x2], $0x4000, $0x38;
	[tilespmem:$0x1F800] =	vst v63  }
0x3f: {  	_ =	swait.ge [sflag:s15], $0x4000  }
0x40: {  	[sflag:s15] =	ssyncset.done $0x0  }
0x41: {  	[sflag:s15] =	ssyncadd.s32 $0xFFFFC000  }
0x42: {  	[spmem:s9] =	stream.linear.scatter [tilespmem:s14], [sflag:$0x2], $0x4000, $0x38;
	[tilespmem:$0x1F800] =	vst v63  }
0x43: {  	_ =	swait.ge [sflag:s15], $0x4000  }
0x44: {  	[sflag:s15] =	ssyncset.done $0x0  }
0x45: {  	[sflag:s15] =	ssyncadd.s32 $0xFFFFC000  }
0x46: {  	s29 =	simm.s32 $0x0;
	[bflag:$0x0] =	sbarrier.arrive $0xFFFF  }
0x47: {  	[tilespmem:s29], [sflag:$0x2] =	stream.linear.gather [hbm4b:s10+s29], $0x3900, $0x38;
	[tilespmem:$0x1F800] =	vst v63  }
0x48: {  	_ =	swait.ge [sflag:s15], $0x3900  }
0x49: {  	[sflag:s15] =	ssyncset.done $0x0  }
0x4a: {  	[sflag:s15] =	ssyncadd.s32 $0xFFFFC700  }
0x4b: {  	[tilespmem:s16], [sflag:$0x2] =	stream.linear.gather [hbm4b:s11+s29], $0x3900, $0x38;
	[tilespmem:$0x1F800] =	vst v63  }
0x4c: {  	_ =	swait.ge [sflag:s15], $0x3900  }
0x4d: {  	[sflag:s15] =	ssyncset.done $0x0  }
0x4e: {  	s30 =	simm.s32 $0x0;
	[sflag:s15] =	ssyncadd.s32 $0xFFFFC700  }
0x4f: {  	[tilespmem:s14], [sflag:$0x1] =	stream.indirect.gather [hbm4b:s4+s17], $0x80, s30, s17, $0xb8;
	[tilespmem:$0x1F800] =	vst v63  }
0x50: {  	_ =	swait.ge [sflag:s18], $0x4000  }
0x51: {  	[sflag:s18] =	ssyncset.done $0x0  }
0x52: {  	s31 =	simm.s32 $0x3C00;
	[sflag:s18] =	ssyncadd.s32 $0xFFFFC000  }
0x53: {  	[spmem:s2] =	stream.indirect.scatter.add.f32 [tilespmem:s14], [sflag:$0x2], $0x80, s31, s17, $0xb8;
	[tilespmem:$0x1F800] =	vst v63  }
0x54: {  	_ =	swait.ge [sflag:s15], $0x4000  }
0x55: {  	s21 =	simm.s32 $0x200;
	s22 =	simm.s32 $0x400;
	[sflag:s15] =	ssyncset.done $0x0  }
.LBB2_4:
0x56: {  	s23 =	sshra.s32 s21, $0x2  }
0x57: {  	[sflag:s15] =	ssyncadd.s32 $0xFFFFC000;
	s21 =	smov.u32 s22;
	s24 =	sadd.s32 $0x200, s22  }
0x58: {  	[tilespmem:s14], [sflag:$0x1] =	stream.indirect.gather [hbm4b:s4+s17], $0x80, s23, s17, $0xb8;
	[tilespmem:$0x1F800] =	vst v63  }
0x59: {  	p1 =	sne.s32 s22, $0x5600;
	_ =	swait.ge [sflag:s18], $0x4000  }
.Ltmp3:
0x5a: {  	[sflag:s18] =	ssyncset.done $0x0;
	(pc) =	sbr.rel @p1 .LBB2_4-.Ltmp3, $4  }
0x5b: {  	s22 =	sadd.s32 $0x3C00, s23;
	[sflag:s18] =	ssyncadd.s32 $0xFFFFC000  }
0x5c: {  	[spmem:s2] =	stream.indirect.scatter.add.f32 [tilespmem:s14], [sflag:$0x2], $0x80, s22, s17, $0xb8;
	[tilespmem:$0x1F800] =	vst v63  }
0x5d: {  	_ =	swait.ge [sflag:s15], $0x4000  }
0x5e: {  	s22 =	smov.u32 s24;
	[sflag:s15] =	ssyncset.done $0x0  }
0x5f: {  	s21 =	sshra.s32 s21, $0x2;
	[sflag:s15] =	ssyncadd.s32 $0xFFFFC000  }
0x60: {  	[tilespmem:s14], [sflag:$0x1] =	stream.indirect.gather [hbm4b:s4+s17], $0x80, s21, s17, $0xb8;
	[tilespmem:$0x1F800] =	vst v63  }
0x61: {  	_ =	swait.ge [sflag:s18], $0x4000  }
0x62: {  	[sflag:s18] =	ssyncset.done $0x0  }
.Ltmp4:
0x63: {  	s21 =	sadd.s32 $0x3C00, s21;
	[sflag:s18] =	ssyncadd.s32 $0xFFFFC000;
	(pc) =	sbr.rel @p0 .LBB2_9-.Ltmp4, $4  }
0x64: {  	[spmem:s2] =	stream.indirect.scatter.add.f32 [tilespmem:s14], [sflag:$0x2], $0x80, s21, s17, $0xb8;
	[tilespmem:$0x1F800] =	vst v63  }
0x65: {  	_ =	swait.ge [sflag:s15], $0x4000  }
0x66: {  	[sflag:s15] =	ssyncset.done $0x0  }
0x67: {  	[sflag:s15] =	ssyncadd.s32 $0xFFFFC000  }
0x68: {  	s21 =	simm.s32 $0x1600  }
0x69: {  	[tilespmem:s14], [sflag:$0x1] =	stream.indirect.gather [hbm4b:s4+s17], $0x80, s21, s17, $0xb8;
	[tilespmem:$0x1F800] =	vst v63  }
0x6a: {  	_ =	swait.ge [sflag:s18], $0x4000  }
0x6b: {  	[sflag:s18] =	ssyncset.done $0x0  }
0x6c: {  	s31 =	simm.s32 $0x5200;
	[sflag:s18] =	ssyncadd.s32 $0xFFFFC000  }
0x6d: {  	[spmem:s2] =	stream.indirect.scatter.add.f32 [tilespmem:s14], [sflag:$0x2], $0x80, s31, s17, $0xb8;
	[tilespmem:$0x1F800] =	vst v63  }
0x6e: {  	_ =	swait.ge [sflag:s15], $0x4000  }
0x6f: {  	s22 =	simm.s32 $0x5C00;
	s21 =	simm.s32 $0x5A00;
	[sflag:s15] =	ssyncset.done $0x0  }
.LBB2_7:
0x70: {  	s23 =	sshra.s32 s21, $0x2  }
0x71: {  	[sflag:s15] =	ssyncadd.s32 $0xFFFFC000;
	s21 =	smov.u32 s22;
	s24 =	sadd.s32 $0x200, s22  }
0x72: {  	[tilespmem:s14], [sflag:$0x1] =	stream.indirect.gather [hbm4b:s4+s17], $0x80, s23, s17, $0xb8;
	[tilespmem:$0x1F800] =	vst v63  }
0x73: {  	p1 =	sne.s32 s22, $0xE200;
	_ =	swait.ge [sflag:s18], $0x4000  }
.Ltmp5:
0x74: {  	[sflag:s18] =	ssyncset.done $0x0;
	(pc) =	sbr.rel @p1 .LBB2_7-.Ltmp5, $4  }
0x75: {  	s22 =	sadd.s32 $0x3C00, s23;
	[sflag:s18] =	ssyncadd.s32 $0xFFFFC000  }
0x76: {  	[spmem:s2] =	stream.indirect.scatter.add.f32 [tilespmem:s14], [sflag:$0x2], $0x80, s22, s17, $0xb8;
	[tilespmem:$0x1F800] =	vst v63  }
0x77: {  	_ =	swait.ge [sflag:s15], $0x4000  }
0x78: {  	s22 =	smov.u32 s24;
	[sflag:s15] =	ssyncset.done $0x0  }
.Ltmp6:
0x79: {  	_ = 	snop;
	(pc) =	sbr.rel .LBB2_8-.Ltmp6, $1  }
0x7a: {  	_ =	sdelay $0x3  }
.LBB2_10:
0x7b: {  	_ =	sfence.sel $0x180000  }
0x7c: {  	[bflag:$0x0] =	sbarrier.arrive $0xFFFF  }
0x7d: {  	p0 =	sne.s32 s0, $0x0;
	_ =	strace $0x90000047  }
0x7e: {  	s0 =	sadd.s32 @!p0 $0x100000, s1;
	[bflag:$0x2] =	sbarrier.arrive $0xFFFF  }
0x7f: {  	[sflag:s0] =	ssyncadd.tile.s32 @!p0 $0x1;
	_ =	shalt  }
.Lfunc_end2:
_tile_overlayer_lowered:
.L_overlay_start_2:
0x80: {  	(tag) =	ssettag $0x2  }
0x81: {  	s0 =	rddreg [dreg:$0x0];
	s2 =	stileid.u32  }
0x82: {  	s1 =	rddreg [dreg:$0x1];
	p0 =	sne.s32 s2, $0x0  }
0x83: {  	s3 =	rddreg [dreg:$0x2];
	[bflag:$0x3] =	sbarrier.arrive $0xFFFF;
	s2 =	simm.s32 @!p0 $0x1C02  }
0x84: {  	[timem:s3], [sflag:s2] =	dma.local @!p0 [hbm:s0], s1  }
0x85: {  	s0 =	simm.s32 @!p0 $0x2  }
0x86: {  	_ =	swait.ge @!p0 [sflag:s0], s1  }
0x87: {  	s1 =	ssub.s32 @!p0 $0x0, s1;
	[sflag:s0] =	ssyncset.done @!p0 $0x0  }
0x88: {  	[sflag:s0] =	ssyncadd.s32 @!p0 s1  }
0x89: {  	[bflag:$0x3] =	sbarrier.arrive $0xFFFF  }
0x8a: {  	_ =	shalt  }

// kernel: kernel.13.cloned.1.call-start
scs
__scs_entry_jumppad:
0x0: {  	(pc) =	sbr.rel $0x88, $3  }
0x1: {  	(tag) =	ssettag $0x0;
	lr =	simm.s32 $0x1  }
0x2: {  	[smem:$0x3F99] =	sst lr;
	_ =	strace $0xD0000000  }
0x3: {  	_ = 	snop  }
0x4: {  	_ = 	snop  }
0x5: {  	_ = 	snop  }
0x6: {  	_ = 	snop  }
0x7: {  	_ = 	snop  }
__scs_overlays_trampoline_lowered:
0x8: {  	[smem:$0x3FA8] =	sst s0  }
0x9: {  	[smem:$0x3FA9] =	sst s1  }
0xa: {  	[smem:$0x3FAA] =	sst s2  }
0xb: {  	[smem:$0x3FAB] =	sst s3  }
0xc: {  	[smem:$0x3FAC] =	sst s4  }
0xd: {  	[smem:$0x3FAD] =	sst s5  }
0xe: {  	[smem:$0x3FAE] =	sst s6  }
0xf: {  	[smem:$0x3FAF] =	sst s7  }
0x10: {  	[smem:$0x3FB0] =	sst s8  }
0x11: {  	[smem:$0x3FB1] =	sst s9;
	s0 =	simm.s32 @!p0 $0x0  }
0x12: {  	s1 =	sld [smem:$0x3F97];
	s0 =	simm.s32 @p0 $0x1  }
0x13: {  	[smem:$0x3FB2] =	sst s0;
	s0 =	simm.s32 @!p1 $0x0  }
0x14: {  	s2 =	sld [smem:$0x3F96];
	s0 =	simm.s32 @p1 $0x1  }
0x15: {  	[smem:$0x3FB3] =	sst s0;
	s0 =	simm.s32 @!p2 $0x0  }
0x16: {  	s3 =	sld [smem:$0x3FDB];
	s0 =	simm.s32 @p2 $0x1  }
0x17: {  	s4 =	simm.s32 $0x1BF5;
	[smem:$0x3FB5] =	sst s0  }
0x18: {  	s0 =	sld [smem:$0x3F98];
	_ =	swait.ge [sflag:s4], $0x0  }
0x19: {  	s7 =	sld [smem:$0x3F99]  }
0x1a: {  	s8 =	sadd.s32 $0xFFFFE003, lr  }
0x1b: {  	s9 =	sadd.s32 $0xFFFFFEF7, lr;
	s5 =	simm.s32 $0xFFFFFFFF;
	p2 =	slt.u32 s8, $0xFFFFF086  }
0x1c: {  	p1 =	slt.u32 s9, $0xF7A;
	s5 =	simm.s32 @!p2 $0x0  }
0x1d: {  	s5 =	simm.s32 @p1 $0x1;
	p0 =	seq.s32 s7, s2  }
0x1e: {  	s7 =	smul.u32 @!p0 $0xF7A, s2;
	p2 =	seq.s32 @!p0 s5, $0x0  }
0x1f: {  	s9 =	smul.u32 $0xF7A, s1;
	s8 =	simm.s32 @!p0 $0x1BF5;
	p2 =	por !p2, p0  }
0x20: {  	[sflag:s8] =	ssyncset.s32 @!p0 $0xFFFFF086;
	s6 =	sadd.s32 @!p0 s3, s7;
	s7 =	simm.s32 @!p0 $0x108  }
0x21: {  	s3 =	sadd.s32 s3, s9;
	s6 =	sadd.s32 @!p0 $0x88, s6;
	s7 =	simm.s32 @p2 $0x1082  }
0x22: {  	[simem:s7], [sflag:s8] =	dma.local @!p0 [hbm:s6], $0xF7A  }
0x23: {  	s9 =	sor.u32 $0xD0000000, s2;
	s6 =	simm.s32 $0x108;
	_ =	swait.ge @!p0 [sflag:s8], $0x0  }
0x24: {  	s3 =	sadd.s32 $0x88, s3;
	s6 =	simm.s32 @!p1 $0x1082;
	[sflag:s4] =	ssyncset.s32 $0xFFFFF086  }
0x25: {  	[simem:s6], [sflag:s4] =	dma.local [hbm:s3], $0xF7A  }
0x26: {  	[smem:$0x3F99] =	sst s1;
	(tag) =	ssettag s2;
	_ =	strace s9  }
0x27: {  	s1 =	sld [smem:$0x3FA9]  }
0x28: {  	s2 =	sld [smem:$0x3FAA]  }
0x29: {  	s4 =	sld [smem:$0x3FAC]  }
0x2a: {  	p0 =	seq.s32 s5, $0x0;
	s5 =	sld [smem:$0x3FAD]  }
0x2b: {  	s6 =	sld [smem:$0x3FAE]  }
0x2c: {  	s7 =	sld [smem:$0x3FAF]  }
0x2d: {  	s3 =	simm.s32 $0x108;
	s8 =	sld [smem:$0x3FB0]  }
0x2e: {  	s3 =	simm.s32 @!p0 $0x1082;
	s9 =	sld [smem:$0x3FB1]  }
0x2f: {  	lr =	sadd.s32 s0, s3;
	s0 =	sld [smem:$0x3FA8]  }
0x30: {  	s3 =	sld [smem:$0x3FAB]  }
0x31: {  	[smem:$0x3FB4] =	sst s10  }
0x32: {  	s10 =	sld [smem:$0x3FB2];
	_ =	sdelay $0x3  }
0x33: {  	p0 =	seq.s32 s10, $0x1;
	s10 =	sld [smem:$0x3FB4];
	_ =	sdelay $0x3  }
0x34: {  	[smem:$0x3FB4] =	sst s10  }
0x35: {  	s10 =	sld [smem:$0x3FB3];
	_ =	sdelay $0x3  }
0x36: {  	p1 =	seq.s32 s10, $0x1;
	s10 =	sld [smem:$0x3FB4];
	_ =	sdelay $0x3  }
0x37: {  	[smem:$0x3FB4] =	sst s10  }
0x38: {  	s10 =	sld [smem:$0x3FB5]  }
0x39: {  	_ = 	snop;
	(pc) =	sbr.ind lr, $3  }
0x3a: {  	_ = 	snop  }
0x3b: {  	_ = 	snop  }
0x3c: {  	p2 =	seq.s32 s10, $0x1;
	s10 =	sld [smem:$0x3FB4]  }
0x3d: {  	_ =	shalt  }
0x3e: {  	_ =	shalt  }
0x3f: {  	_ =	shalt  }
0x40: {  	_ =	shalt  }
0x41: {  	_ =	shalt  }
0x42: {  	_ =	shalt  }
0x43: {  	_ =	shalt  }
0x44: {  	_ =	shalt  }
0x45: {  	_ =	shalt  }
0x46: {  	_ =	shalt  }
0x47: {  	_ =	shalt  }
0x48: {  	_ =	shalt  }
0x49: {  	_ =	shalt  }
0x4a: {  	_ =	shalt  }
0x4b: {  	_ =	shalt  }
0x4c: {  	_ =	shalt  }
0x4d: {  	_ =	shalt  }
0x4e: {  	_ =	shalt  }
0x4f: {  	_ =	shalt  }
0x50: {  	_ =	shalt  }
0x51: {  	_ =	shalt  }
0x52: {  	_ =	shalt  }
0x53: {  	_ =	shalt  }
0x54: {  	_ =	shalt  }
0x55: {  	_ =	shalt  }
0x56: {  	_ =	shalt  }
0x57: {  	_ =	shalt  }
0x58: {  	_ =	shalt  }
0x59: {  	_ =	shalt  }
0x5a: {  	_ =	shalt  }
0x5b: {  	_ =	shalt  }
0x5c: {  	_ =	shalt  }
0x5d: {  	_ =	shalt  }
0x5e: {  	_ =	shalt  }
0x5f: {  	_ =	shalt  }
0x60: {  	_ =	shalt  }
0x61: {  	_ =	shalt  }
0x62: {  	_ =	shalt  }
0x63: {  	_ =	shalt  }
0x64: {  	_ =	shalt  }
0x65: {  	_ =	shalt  }
0x66: {  	_ =	shalt  }
0x67: {  	_ =	shalt  }
0x68: {  	_ =	shalt  }
0x69: {  	_ =	shalt  }
0x6a: {  	_ =	shalt  }
0x6b: {  	_ =	shalt  }
0x6c: {  	_ =	shalt  }
0x6d: {  	_ =	shalt  }
0x6e: {  	_ =	shalt  }
0x6f: {  	_ =	shalt  }
0x70: {  	_ =	shalt  }
0x71: {  	_ =	shalt  }
0x72: {  	_ =	shalt  }
0x73: {  	_ =	shalt  }
0x74: {  	_ =	shalt  }
0x75: {  	_ =	shalt  }
0x76: {  	_ =	shalt  }
0x77: {  	_ =	shalt  }
0x78: {  	_ =	shalt  }
0x79: {  	_ =	shalt  }
0x7a: {  	_ =	shalt  }
0x7b: {  	_ =	shalt  }
0x7c: {  	_ =	shalt  }
0x7d: {  	_ =	shalt  }
0x7e: {  	_ =	shalt  }
0x7f: {  	_ =	shalt  }
0x80: {  	_ =	shalt  }
0x81: {  	_ =	shalt  }
0x82: {  	_ =	shalt  }
0x83: {  	_ =	shalt  }
0x84: {  	_ =	shalt  }
0x85: {  	_ =	shalt  }
0x86: {  	_ =	shalt  }
0x87: {  	_ =	shalt  }
.Lfunc_end0:
.L_simem_size_0:
called_computation.2_lowered:
.L_overlay_start_0:
0x88: {  	s2 =	sld [smem:$0x3FD9]  }
0x89: {  	s3 =	sld [smem:$0x3FFE];
	_ =	sdelay $0x1  }
0x8a: {  	s1 =	srdreg.scid  }
0x8b: {  	s0 =	sand.u32 $0x1, s1  }
0x8c: {  	s17 =	sshll.u32 s0, $0xA;
	s2 =	sadd.s32 s3, s2  }
0x8d: {  	s2 =	sadd.s32 s2, s17  }
0x8e: {  	[smem:$0x3FC0] =	sst s2  }
0x8f: {  	_ = 	snop  }
0x90: {  	s2 =	sld [smem:$0x3FD0];
	(tm) =	ssettm $0x1  }
0x91: {  	s18 =	sld [smem:$0x3FFB];
	_ =	sdelay $0x3  }
0x92: {  	_ =	strace s18  }
0x93: {  	s3 =	sld [smem:$0x3FFC];
	_ =	sdelay $0x3  }
0x94: {  	_ =	strace s3  }
0x95: {  	s3 =	sld [smem:$0x3FFD];
	_ =	sdelay $0x3  }
0x96: {  	_ =	strace s3  }
0x97: {  	_ =	strace $0x8FFFFFFF  }
0x98: {  	s19 =	sld [smem:$0x3FDB];
	_ =	sdelay $0x1  }
0x99: {  	s4 =	simm.s32 $_scs_section_size  }
0x9a: {  	s5 =	simm.s32 $_size__tile_overlayer_lowered;
	s6 =	simm.s32 $_tile_overlayer_lowered  }
0x9b: {  	s22 =	simm.s32 $0x1BFF;
	s21 =	sshll.u32 s6, $0x1;
	s3 =	sadd.s32 s4, s19  }
0x9c: {  	s7 =	simm.s32 $0x0;
	s20 =	sshll.u32 s5, $0x1;
	s5 =	sadd.s32 s21, s3  }
0x9d: {  	[timem:s7], [sflag:s22] =	dma.local [hbm:s5], s20  }
0x9e: {  	_ =	swait.ge [sflag:s22], s20  }
0x9f: {  	s4 =	ssub.s32 $0x0, s20;
	[sflag:s22] =	ssyncset.done $0x0  }
0xa0: {  	[sflag:s22] =	ssyncadd.s32 s4;
	_ =	sdelay $0x1  }
0xa1: {  	s23 =	simm.s32 $0x1B8B  }
0xa2: {  	_ =	swait.ge [sflag:s23], $0x1  }
0xa3: {  	[sflag:s23] =	ssyncset.done $0x0  }
0xa4: {  	s25 =	simm.s32 $0x1B8E;
	s24 =	sld [smem:$0x3FFE];
	[sflag:s23] =	ssyncadd.s32 $0xFFFFFFFF  }
0xa5: {  	s26 =	simm.s32 $execute0_lowered;
	[smem:$0x3FD2] =	sst s25  }
0xa6: {  	s5 =	sshll.u32 s26, $0x1;
	_ =	strace $0x8000004C;
	[dreg:$0x1] =	wrdreg $0xFFFFFFFF  }
0xa7: {  	s28 =	simm.s32 $_size_execute0_lowered;
	s3 =	sadd.s32 s3, s5;
	[dreg:$0x0] =	wrdreg $0x0  }
0xa8: {  	s5 =	sshll.u32 s28, $0x1;
	[dreg:$0x2] =	wrdreg s3  }
0xa9: {  	[dreg:$0x3] =	wrdreg s5  }
0xaa: {  	[dreg:$0x4] =	wrdreg $0xC0  }
0xab: {  	_ =	task [dreg:s7], $0x5FFFF  }
0xac: {  	[dreg:$0x1] =	wrdreg $0xFFFFFFFF  }
0xad: {  	[dreg:$0x0] =	wrdreg $0x60  }
0xae: {  	[dreg:$0x2] =	wrdreg s24  }
0xaf: {  	[dreg:$0x3] =	wrdreg s2  }
0xb0: {  	[dreg:$0x4] =	wrdreg $0xB8000  }
0xb1: {  	[dreg:$0x5] =	wrdreg $0x9  }
0xb2: {  	_ =	task.clear_ibuf [dreg:s7], $0x6FFFF;
	_ =	strace $0x9000004C  }
0xb3: {  	s29 =	simm.s32 $0x9;
	_ =	strace $0x8000004E  }
0xb4: {  	_ =	swait.ge [sflag:s29], $0x1  }
0xb5: {  	[sflag:s29] =	ssyncadd.s32 $0xFFFFFFFF  }
0xb6: {  	_ =	strace $0x9000004E  }
0xb7: {  	_ =	sfence  }
0xb8: {  	s30 =	sld [smem:$0x0];
	_ =	sdelay $0x2  }
0xb9: {  	s31 =	sshll.u32 s1, $0xD;
	s1 =	sshrl.u32 s1, $0x2  }
0xba: {  	s3 =	sand.u32 $0x4000, s31;
	s1 =	sadd.s32 s1, s30  }
0xbb: {  	s0 =	sor.u32 s3, s0;
	s1 =	sshll.u32 s1, $0x11  }
0xbc: {  	s0 =	sor.u32 s1, s0  }
0xbd: {  	s0 =	sadd.s32 $0x8F2B, s0  }
0xbe: {  	[sflag:s0] =	ssyncadd.remote.s32 $0x1  }
0xbf: {  	_ =	sfence.sel $0xFFFF  }
0xc0: {  	[dreg:$0x0] =	wrdreg $0xFFFFFFFF;
	(pc) =	sbr.abs _section_cstart, $3  }
0xc1: {  	[dreg:$0x1] =	wrdreg $0xFFFFFFFF  }
0xc2: {  	_ =	task.clear_ibuf [dreg:s7], $0x2FFFF;
	_ =	strace $0x9FFFFFFF  }
0xc3: {  	(tm) =	ssettm $0x7FFFFFFF  }
tec
execute0_lowered:
.L_overlay_start_1:
0x0: {  	(tag) =	ssettag $0x1  }
0x1: {  	s5 =	rddreg [dreg:$0x0]  }
0x2: {  	s11 =	rddreg [dreg:$0x1]  }
0x3: {  	s0 =	srdreg.scid;
	s2 =	rddreg [dreg:$0x2];
	s3 =	simm.s32 $0x0  }
0x4: {  	s15 =	simm.s32 $0x2;
	s16 =	simm.s32 $0x3C00;
	s19 =	sand.u32 $0x1, s0  }
0x5: {  	s17 =	simm.s32 $0x80;
	s0 =	stileid.u32;
	s6 =	smul.u32 $0x140000, s19  }
0x6: {  	s18 =	simm.s32 $0x1;
	[smem:$0x7FF] =	sst s3;
	s7 =	smul.u32 $0x14000, s0  }
0x7: {  	s4 =	sadd.s32 $0x1C00, s5;
	s1 =	sshll.u32 s19, $0x4;
	s8 =	smul.u32 $0x50000, s0  }
0x8: {  	s30 =	ssub.s32 $0x2, s19;
	s20 =	sshll.u32 s0, $0x6;
	p0 =	sne.s32 s19, $0x0  }
0x9: {  	s1 =	sor.u32 s0, s1;
	s31 =	sshrl.u32 s30, $0x1;
	s19 =	sor.u32 $0x1C02, s20  }
0xa: {  	s12 =	smul.u32 $0x780, s1;
	s1 =	rddreg [dreg:$0x3];
	_ =	strace $0x8000004D  }
0xb: {  	s6 =	sadd.s32 s7, s6;
	s8 =	sshrl.u32 s8, $0x2;
	s14 =	ssub.s32 s30, s31  }
.Ltmp0:
0xc: {  	s6 =	sshrl.u32 s6, $0x3;
	s10 =	sadd.s32 s12, s5;
	(pc) =	sbr.rel .LBB2_1-.Ltmp0, $4  }
0xd: {  	s13 =	sadd.s32 s6, s5;
	s5 =	sadd.s32 s8, s2;
	s11 =	sadd.s32 s11, s12  }
0xe: {  	s6 =	sadd.s32 $0x4000, s5;
	s7 =	sadd.s32 $0x8000, s5;
	s8 =	sadd.s32 $0xC000, s5  }
0xf: {  	s9 =	sadd.s32 $0x10000, s5;
	s10 =	sadd.s32 $0x29C00, s10;
	s12 =	sadd.s32 $0x60C00, s13  }
0x10: {  	v0 =	vimm.f32 $0.0e+00;
	s13 =	smax.u32 s14, $0x1;
	s14 =	simm.s32 $0x7800;
	s20 =	sshrl.u32 s5, $0x3  }
.LBB2_8:
0x11: {  	s21 =	sshra.s32 s21, $0x2;
	[sflag:s15] =	ssyncadd.s32 $0xFFFFC000  }
0x12: {  	[tilespmem:s14], [sflag:$0x1] =	stream.indirect.gather [hbm4b:s4+s17], $0x80, s21, s17, $0xb8;
	[tilespmem:$0x1F800] =	vst v63  }
0x13: {  	_ =	swait.ge [sflag:s18], $0x4000  }
0x14: {  	[sflag:s18] =	ssyncset.done $0x0  }
0x15: {  	s21 =	sadd.s32 $0x3C00, s21;
	[sflag:s18] =	ssyncadd.s32 $0xFFFFC000  }
0x16: {  	[spmem:s2] =	stream.indirect.scatter.add.f32 [tilespmem:s14], [sflag:$0x2], $0x80, s21, s17, $0xb8;
	[tilespmem:$0x1F800] =	vst v63  }
0x17: {  	_ =	swait.ge [sflag:s15], $0x4000  }
0x18: {  	[sflag:s15] =	ssyncset.done $0x0  }
0x19: {  	[sflag:s15] =	ssyncadd.s32 $0xFFFFC000  }
.LBB2_9:
0x1a: {  	s3 =	sadd.s32 $0x1, s3  }
0x1b: {  	p1 =	sne.s32 s3, s13  }
.Ltmp1:
0x1c: {  	[bflag:$0x0] =	sbarrier.arrive $0xFFFF;
	(pc) =	sbr.rel @!p1 .LBB2_10-.Ltmp1, $4  }
0x1d: {  	[hbm:s12], [sflag:s19] =	dma.local [spmem:s20], $0x2800  }
0x1e: {  	_ =	swait.ge [sflag:s15], $0x2800  }
0x1f: {  	[sflag:s15] =	ssyncset.done $0x0  }
0x20: {  	[sflag:s15] =	ssyncadd.s32 $0xFFFFD800  }
.LBB2_1:
0x21: {  	s21 =	simm.s32 $0x0;
	s22 =	simm.s32 $0x200  }
.LBB2_2:
0x22: {  	p1 =	sne.s32 s22, $0xFE00;
	[tilespmem:s21+$0x7870] =	vst v0  }
0x23: {  	[tilespmem:s21+$0x7800] =	vst v0  }
0x24: {  	[tilespmem:s21+$0x7810] =	vst v0  }
.Ltmp2:
0x25: {  	[tilespmem:s21+$0x7820] =	vst v0;
	(pc) =	sbr.rel @p1 .LBB2_2-.Ltmp2, $4  }
0x26: {  	[tilespmem:s21+$0x7830] =	vst v0  }
0x27: {  	[tilespmem:s21+$0x7840] =	vst v0  }
0x28: {  	[tilespmem:s21+$0x7850] =	vst v0  }
0x29: {  	[tilespmem:s21+$0x7860] =	vst v0;
	s21 =	sshra.s32 s22, $0x2;
	s22 =	sadd.s32 $0x200, s22  }
0x2a: {  	[tilespmem:s21+$0x7870] =	vst v0  }
0x2b: {  	[tilespmem:s21+$0x7800] =	vst v0  }
0x2c: {  	[tilespmem:s21+$0x7810] =	vst v0  }
0x2d: {  	[tilespmem:s21+$0x7820] =	vst v0  }
0x2e: {  	[tilespmem:s21+$0x7830] =	vst v0  }
0x2f: {  	[tilespmem:s21+$0x7840] =	vst v0  }
0x30: {  	[tilespmem:s21+$0x7850] =	vst v0  }
0x31: {  	[tilespmem:s21+$0x7860] =	vst v0  }
0x32: {  	[spmem:s5] =	stream.linear.scatter [tilespmem:s14], [sflag:$0x2], $0x4000, $0x38;
	[tilespmem:$0x1F800] =	vst v63  }
0x33: {  	_ =	swait.ge [sflag:s15], $0x4000  }
0x34: {  	[sflag:s15] =	ssyncset.done $0x0  }
0x35: {  	[sflag:s15] =	ssyncadd.s32 $0xFFFFC000  }
0x36: {  	[spmem:s6] =	stream.linear.scatter [tilespmem:s14], [sflag:$0x2], $0x4000, $0x38;
	[tilespmem:$0x1F800] =	vst v63  }
0x37: {  	_ =	swait.ge [sflag:s15], $0x4000  }
0x38: {  	[sflag:s15] =	ssyncset.done $0x0  }
0x39: {  	[sflag:s15] =	ssyncadd.s32 $0xFFFFC000  }
0x3a: {  	[spmem:s7] =	stream.linear.scatter [tilespmem:s14], [sflag:$0x2], $0x4000, $0x38;
	[tilespmem:$0x1F800] =	vst v63  }
0x3b: {  	_ =	swait.ge [sflag:s15], $0x4000  }
0x3c: {  	[sflag:s15] =	ssyncset.done $0x0  }
0x3d: {  	[sflag:s15] =	ssyncadd.s32 $0xFFFFC000  }
0x3e: {  	[spmem:s8] =	stream.linear.scatter [tilespmem:s14], [sflag:$0x2], $0x4000, $0x38;
	[tilespmem:$0x1F800] =	vst v63  }
0x3f: {  	_ =	swait.ge [sflag:s15], $0x4000  }
0x40: {  	[sflag:s15] =	ssyncset.done $0x0  }
0x41: {  	[sflag:s15] =	ssyncadd.s32 $0xFFFFC000  }
0x42: {  	[spmem:s9] =	stream.linear.scatter [tilespmem:s14], [sflag:$0x2], $0x4000, $0x38;
	[tilespmem:$0x1F800] =	vst v63  }
0x43: {  	_ =	swait.ge [sflag:s15], $0x4000  }
0x44: {  	[sflag:s15] =	ssyncset.done $0x0  }
0x45: {  	[sflag:s15] =	ssyncadd.s32 $0xFFFFC000  }
0x46: {  	s29 =	simm.s32 $0x0;
	[bflag:$0x0] =	sbarrier.arrive $0xFFFF  }
0x47: {  	[tilespmem:s29], [sflag:$0x2] =	stream.linear.gather [hbm4b:s10+s29], $0x3900, $0x38;
	[tilespmem:$0x1F800] =	vst v63  }
0x48: {  	_ =	swait.ge [sflag:s15], $0x3900  }
0x49: {  	[sflag:s15] =	ssyncset.done $0x0  }
0x4a: {  	[sflag:s15] =	ssyncadd.s32 $0xFFFFC700  }
0x4b: {  	[tilespmem:s16], [sflag:$0x2] =	stream.linear.gather [hbm4b:s11+s29], $0x3900, $0x38;
	[tilespmem:$0x1F800] =	vst v63  }
0x4c: {  	_ =	swait.ge [sflag:s15], $0x3900  }
0x4d: {  	[sflag:s15] =	ssyncset.done $0x0  }
0x4e: {  	s30 =	simm.s32 $0x0;
	[sflag:s15] =	ssyncadd.s32 $0xFFFFC700  }
0x4f: {  	[tilespmem:s14], [sflag:$0x1] =	stream.indirect.gather [hbm4b:s4+s17], $0x80, s30, s17, $0xb8;
	[tilespmem:$0x1F800] =	vst v63  }
0x50: {  	_ =	swait.ge [sflag:s18], $0x4000  }
0x51: {  	[sflag:s18] =	ssyncset.done $0x0  }
0x52: {  	s31 =	simm.s32 $0x3C00;
	[sflag:s18] =	ssyncadd.s32 $0xFFFFC000  }
0x53: {  	[spmem:s2] =	stream.indirect.scatter.add.f32 [tilespmem:s14], [sflag:$0x2], $0x80, s31, s17, $0xb8;
	[tilespmem:$0x1F800] =	vst v63  }
0x54: {  	_ =	swait.ge [sflag:s15], $0x4000  }
0x55: {  	s21 =	simm.s32 $0x200;
	s22 =	simm.s32 $0x400;
	[sflag:s15] =	ssyncset.done $0x0  }
.LBB2_4:
0x56: {  	s23 =	sshra.s32 s21, $0x2  }
0x57: {  	[sflag:s15] =	ssyncadd.s32 $0xFFFFC000;
	s21 =	smov.u32 s22;
	s24 =	sadd.s32 $0x200, s22  }
0x58: {  	[tilespmem:s14], [sflag:$0x1] =	stream.indirect.gather [hbm4b:s4+s17], $0x80, s23, s17, $0xb8;
	[tilespmem:$0x1F800] =	vst v63  }
0x59: {  	p1 =	sne.s32 s22, $0x5600;
	_ =	swait.ge [sflag:s18], $0x4000  }
.Ltmp3:
0x5a: {  	[sflag:s18] =	ssyncset.done $0x0;
	(pc) =	sbr.rel @p1 .LBB2_4-.Ltmp3, $4  }
0x5b: {  	s22 =	sadd.s32 $0x3C00, s23;
	[sflag:s18] =	ssyncadd.s32 $0xFFFFC000  }
0x5c: {  	[spmem:s2] =	stream.indirect.scatter.add.f32 [tilespmem:s14], [sflag:$0x2], $0x80, s22, s17, $0xb8;
	[tilespmem:$0x1F800] =	vst v63  }
0x5d: {  	_ =	swait.ge [sflag:s15], $0x4000  }
0x5e: {  	s22 =	smov.u32 s24;
	[sflag:s15] =	ssyncset.done $0x0  }
0x5f: {  	s21 =	sshra.s32 s21, $0x2;
	[sflag:s15] =	ssyncadd.s32 $0xFFFFC000  }
0x60: {  	[tilespmem:s14], [sflag:$0x1] =	stream.indirect.gather [hbm4b:s4+s17], $0x80, s21, s17, $0xb8;
	[tilespmem:$0x1F800] =	vst v63  }
0x61: {  	_ =	swait.ge [sflag:s18], $0x4000  }
0x62: {  	[sflag:s18] =	ssyncset.done $0x0  }
.Ltmp4:
0x63: {  	s21 =	sadd.s32 $0x3C00, s21;
	[sflag:s18] =	ssyncadd.s32 $0xFFFFC000;
	(pc) =	sbr.rel @p0 .LBB2_9-.Ltmp4, $4  }
0x64: {  	[spmem:s2] =	stream.indirect.scatter.add.f32 [tilespmem:s14], [sflag:$0x2], $0x80, s21, s17, $0xb8;
	[tilespmem:$0x1F800] =	vst v63  }
0x65: {  	_ =	swait.ge [sflag:s15], $0x4000  }
0x66: {  	[sflag:s15] =	ssyncset.done $0x0  }
0x67: {  	[sflag:s15] =	ssyncadd.s32 $0xFFFFC000  }
0x68: {  	s21 =	simm.s32 $0x1600  }
0x69: {  	[tilespmem:s14], [sflag:$0x1] =	stream.indirect.gather [hbm4b:s4+s17], $0x80, s21, s17, $0xb8;
	[tilespmem:$0x1F800] =	vst v63  }
0x6a: {  	_ =	swait.ge [sflag:s18], $0x4000  }
0x6b: {  	[sflag:s18] =	ssyncset.done $0x0  }
0x6c: {  	s31 =	simm.s32 $0x5200;
	[sflag:s18] =	ssyncadd.s32 $0xFFFFC000  }
0x6d: {  	[spmem:s2] =	stream.indirect.scatter.add.f32 [tilespmem:s14], [sflag:$0x2], $0x80, s31, s17, $0xb8;
	[tilespmem:$0x1F800] =	vst v63  }
0x6e: {  	_ =	swait.ge [sflag:s15], $0x4000  }
0x6f: {  	s22 =	simm.s32 $0x5C00;
	s21 =	simm.s32 $0x5A00;
	[sflag:s15] =	ssyncset.done $0x0  }
.LBB2_7:
0x70: {  	s23 =	sshra.s32 s21, $0x2  }
0x71: {  	[sflag:s15] =	ssyncadd.s32 $0xFFFFC000;
	s21 =	smov.u32 s22;
	s24 =	sadd.s32 $0x200, s22  }
0x72: {  	[tilespmem:s14], [sflag:$0x1] =	stream.indirect.gather [hbm4b:s4+s17], $0x80, s23, s17, $0xb8;
	[tilespmem:$0x1F800] =	vst v63  }
0x73: {  	p1 =	sne.s32 s22, $0xE200;
	_ =	swait.ge [sflag:s18], $0x4000  }
.Ltmp5:
0x74: {  	[sflag:s18] =	ssyncset.done $0x0;
	(pc) =	sbr.rel @p1 .LBB2_7-.Ltmp5, $4  }
0x75: {  	s22 =	sadd.s32 $0x3C00, s23;
	[sflag:s18] =	ssyncadd.s32 $0xFFFFC000  }
0x76: {  	[spmem:s2] =	stream.indirect.scatter.add.f32 [tilespmem:s14], [sflag:$0x2], $0x80, s22, s17, $0xb8;
	[tilespmem:$0x1F800] =	vst v63  }
0x77: {  	_ =	swait.ge [sflag:s15], $0x4000  }
0x78: {  	s22 =	smov.u32 s24;
	[sflag:s15] =	ssyncset.done $0x0  }
.Ltmp6:
0x79: {  	_ = 	snop;
	(pc) =	sbr.rel .LBB2_8-.Ltmp6, $1  }
0x7a: {  	_ =	sdelay $0x3  }
.LBB2_10:
0x7b: {  	_ =	sfence.sel $0x180000  }
0x7c: {  	[bflag:$0x0] =	sbarrier.arrive $0xFFFF  }
0x7d: {  	p0 =	sne.s32 s0, $0x0;
	_ =	strace $0x9000004D  }
0x7e: {  	s0 =	sadd.s32 @!p0 $0x100000, s1;
	[bflag:$0x2] =	sbarrier.arrive $0xFFFF  }
0x7f: {  	[sflag:s0] =	ssyncadd.tile.s32 @!p0 $0x1;
	_ =	shalt  }
.Lfunc_end2:
_tile_overlayer_lowered:
.L_overlay_start_2:
0x80: {  	(tag) =	ssettag $0x2  }
0x81: {  	s0 =	rddreg [dreg:$0x0];
	s2 =	stileid.u32  }
0x82: {  	s1 =	rddreg [dreg:$0x1];
	p0 =	sne.s32 s2, $0x0  }
0x83: {  	s3 =	rddreg [dreg:$0x2];
	[bflag:$0x3] =	sbarrier.arrive $0xFFFF;
	s2 =	simm.s32 @!p0 $0x1C02  }
0x84: {  	[timem:s3], [sflag:s2] =	dma.local @!p0 [hbm:s0], s1  }
0x85: {  	s0 =	simm.s32 @!p0 $0x2  }
0x86: {  	_ =	swait.ge @!p0 [sflag:s0], s1  }
0x87: {  	s1 =	ssub.s32 @!p0 $0x0, s1;
	[sflag:s0] =	ssyncset.done @!p0 $0x0  }
0x88: {  	[sflag:s0] =	ssyncadd.s32 @!p0 s1  }
0x89: {  	[bflag:$0x3] =	sbarrier.arrive $0xFFFF  }
0x8a: {  	_ =	shalt  }

// kernel: kernel.7.cloned.1.call-start
scs
__scs_entry_jumppad:
0x0: {  	(pc) =	sbr.rel $0x88, $3  }
0x1: {  	(tag) =	ssettag $0x0;
	lr =	simm.s32 $0x1  }
0x2: {  	[smem:$0x3F99] =	sst lr;
	_ =	strace $0xD0000000  }
0x3: {  	_ = 	snop  }
0x4: {  	_ = 	snop  }
0x5: {  	_ = 	snop  }
0x6: {  	_ = 	snop  }
0x7: {  	_ = 	snop  }
__scs_overlays_trampoline_lowered:
0x8: {  	[smem:$0x3FA8] =	sst s0  }
0x9: {  	[smem:$0x3FA9] =	sst s1  }
0xa: {  	[smem:$0x3FAA] =	sst s2  }
0xb: {  	[smem:$0x3FAB] =	sst s3  }
0xc: {  	[smem:$0x3FAC] =	sst s4  }
0xd: {  	[smem:$0x3FAD] =	sst s5  }
0xe: {  	[smem:$0x3FAE] =	sst s6  }
0xf: {  	[smem:$0x3FAF] =	sst s7  }
0x10: {  	[smem:$0x3FB0] =	sst s8  }
0x11: {  	[smem:$0x3FB1] =	sst s9;
	s0 =	simm.s32 @!p0 $0x0  }
0x12: {  	s1 =	sld [smem:$0x3F97];
	s0 =	simm.s32 @p0 $0x1  }
0x13: {  	[smem:$0x3FB2] =	sst s0;
	s0 =	simm.s32 @!p1 $0x0  }
0x14: {  	s2 =	sld [smem:$0x3F96];
	s0 =	simm.s32 @p1 $0x1  }
0x15: {  	[smem:$0x3FB3] =	sst s0;
	s0 =	simm.s32 @!p2 $0x0  }
0x16: {  	s3 =	sld [smem:$0x3FDB];
	s0 =	simm.s32 @p2 $0x1  }
0x17: {  	s4 =	simm.s32 $0x1BF5;
	[smem:$0x3FB5] =	sst s0  }
0x18: {  	s0 =	sld [smem:$0x3F98];
	_ =	swait.ge [sflag:s4], $0x0  }
0x19: {  	s7 =	sld [smem:$0x3F99]  }
0x1a: {  	s8 =	sadd.s32 $0xFFFFE003, lr  }
0x1b: {  	s9 =	sadd.s32 $0xFFFFFEF7, lr;
	s5 =	simm.s32 $0xFFFFFFFF;
	p2 =	slt.u32 s8, $0xFFFFF086  }
0x1c: {  	p1 =	slt.u32 s9, $0xF7A;
	s5 =	simm.s32 @!p2 $0x0  }
0x1d: {  	s5 =	simm.s32 @p1 $0x1;
	p0 =	seq.s32 s7, s2  }
0x1e: {  	s7 =	smul.u32 @!p0 $0xF7A, s2;
	p2 =	seq.s32 @!p0 s5, $0x0  }
0x1f: {  	s9 =	smul.u32 $0xF7A, s1;
	s8 =	simm.s32 @!p0 $0x1BF5;
	p2 =	por !p2, p0  }
0x20: {  	[sflag:s8] =	ssyncset.s32 @!p0 $0xFFFFF086;
	s6 =	sadd.s32 @!p0 s3, s7;
	s7 =	simm.s32 @!p0 $0x108  }
0x21: {  	s3 =	sadd.s32 s3, s9;
	s6 =	sadd.s32 @!p0 $0x88, s6;
	s7 =	simm.s32 @p2 $0x1082  }
0x22: {  	[simem:s7], [sflag:s8] =	dma.local @!p0 [hbm:s6], $0xF7A  }
0x23: {  	s9 =	sor.u32 $0xD0000000, s2;
	s6 =	simm.s32 $0x108;
	_ =	swait.ge @!p0 [sflag:s8], $0x0  }
0x24: {  	s3 =	sadd.s32 $0x88, s3;
	s6 =	simm.s32 @!p1 $0x1082;
	[sflag:s4] =	ssyncset.s32 $0xFFFFF086  }
0x25: {  	[simem:s6], [sflag:s4] =	dma.local [hbm:s3], $0xF7A  }
0x26: {  	[smem:$0x3F99] =	sst s1;
	(tag) =	ssettag s2;
	_ =	strace s9  }
0x27: {  	s1 =	sld [smem:$0x3FA9]  }
0x28: {  	s2 =	sld [smem:$0x3FAA]  }
0x29: {  	s4 =	sld [smem:$0x3FAC]  }
0x2a: {  	p0 =	seq.s32 s5, $0x0;
	s5 =	sld [smem:$0x3FAD]  }
0x2b: {  	s6 =	sld [smem:$0x3FAE]  }
0x2c: {  	s7 =	sld [smem:$0x3FAF]  }
0x2d: {  	s3 =	simm.s32 $0x108;
	s8 =	sld [smem:$0x3FB0]  }
0x2e: {  	s3 =	simm.s32 @!p0 $0x1082;
	s9 =	sld [smem:$0x3FB1]  }
0x2f: {  	lr =	sadd.s32 s0, s3;
	s0 =	sld [smem:$0x3FA8]  }
0x30: {  	s3 =	sld [smem:$0x3FAB]  }
0x31: {  	[smem:$0x3FB4] =	sst s10  }
0x32: {  	s10 =	sld [smem:$0x3FB2];
	_ =	sdelay $0x3  }
0x33: {  	p0 =	seq.s32 s10, $0x1;
	s10 =	sld [smem:$0x3FB4];
	_ =	sdelay $0x3  }
0x34: {  	[smem:$0x3FB4] =	sst s10  }
0x35: {  	s10 =	sld [smem:$0x3FB3];
	_ =	sdelay $0x3  }
0x36: {  	p1 =	seq.s32 s10, $0x1;
	s10 =	sld [smem:$0x3FB4];
	_ =	sdelay $0x3  }
0x37: {  	[smem:$0x3FB4] =	sst s10  }
0x38: {  	s10 =	sld [smem:$0x3FB5]  }
0x39: {  	_ = 	snop;
	(pc) =	sbr.ind lr, $3  }
0x3a: {  	_ = 	snop  }
0x3b: {  	_ = 	snop  }
0x3c: {  	p2 =	seq.s32 s10, $0x1;
	s10 =	sld [smem:$0x3FB4]  }
0x3d: {  	_ =	shalt  }
0x3e: {  	_ =	shalt  }
0x3f: {  	_ =	shalt  }
0x40: {  	_ =	shalt  }
0x41: {  	_ =	shalt  }
0x42: {  	_ =	shalt  }
0x43: {  	_ =	shalt  }
0x44: {  	_ =	shalt  }
0x45: {  	_ =	shalt  }
0x46: {  	_ =	shalt  }
0x47: {  	_ =	shalt  }
0x48: {  	_ =	shalt  }
0x49: {  	_ =	shalt  }
0x4a: {  	_ =	shalt  }
0x4b: {  	_ =	shalt  }
0x4c: {  	_ =	shalt  }
0x4d: {  	_ =	shalt  }
0x4e: {  	_ =	shalt  }
0x4f: {  	_ =	shalt  }
0x50: {  	_ =	shalt  }
0x51: {  	_ =	shalt  }
0x52: {  	_ =	shalt  }
0x53: {  	_ =	shalt  }
0x54: {  	_ =	shalt  }
0x55: {  	_ =	shalt  }
0x56: {  	_ =	shalt  }
0x57: {  	_ =	shalt  }
0x58: {  	_ =	shalt  }
0x59: {  	_ =	shalt  }
0x5a: {  	_ =	shalt  }
0x5b: {  	_ =	shalt  }
0x5c: {  	_ =	shalt  }
0x5d: {  	_ =	shalt  }
0x5e: {  	_ =	shalt  }
0x5f: {  	_ =	shalt  }
0x60: {  	_ =	shalt  }
0x61: {  	_ =	shalt  }
0x62: {  	_ =	shalt  }
0x63: {  	_ =	shalt  }
0x64: {  	_ =	shalt  }
0x65: {  	_ =	shalt  }
0x66: {  	_ =	shalt  }
0x67: {  	_ =	shalt  }
0x68: {  	_ =	shalt  }
0x69: {  	_ =	shalt  }
0x6a: {  	_ =	shalt  }
0x6b: {  	_ =	shalt  }
0x6c: {  	_ =	shalt  }
0x6d: {  	_ =	shalt  }
0x6e: {  	_ =	shalt  }
0x6f: {  	_ =	shalt  }
0x70: {  	_ =	shalt  }
0x71: {  	_ =	shalt  }
0x72: {  	_ =	shalt  }
0x73: {  	_ =	shalt  }
0x74: {  	_ =	shalt  }
0x75: {  	_ =	shalt  }
0x76: {  	_ =	shalt  }
0x77: {  	_ =	shalt  }
0x78: {  	_ =	shalt  }
0x79: {  	_ =	shalt  }
0x7a: {  	_ =	shalt  }
0x7b: {  	_ =	shalt  }
0x7c: {  	_ =	shalt  }
0x7d: {  	_ =	shalt  }
0x7e: {  	_ =	shalt  }
0x7f: {  	_ =	shalt  }
0x80: {  	_ =	shalt  }
0x81: {  	_ =	shalt  }
0x82: {  	_ =	shalt  }
0x83: {  	_ =	shalt  }
0x84: {  	_ =	shalt  }
0x85: {  	_ =	shalt  }
0x86: {  	_ =	shalt  }
0x87: {  	_ =	shalt  }
.Lfunc_end0:
.L_simem_size_0:
called_computation_lowered:
.L_overlay_start_0:
0x88: {  	s2 =	sld [smem:$0x3FD9]  }
0x89: {  	s3 =	sld [smem:$0x3FFE];
	_ =	sdelay $0x1  }
0x8a: {  	s1 =	srdreg.scid  }
0x8b: {  	s0 =	sand.u32 $0x1, s1  }
0x8c: {  	s17 =	sshll.u32 s0, $0xA;
	s2 =	sadd.s32 s3, s2  }
0x8d: {  	s2 =	sadd.s32 s2, s17  }
0x8e: {  	[smem:$0x3FC0] =	sst s2  }
0x8f: {  	_ = 	snop  }
0x90: {  	(tm) =	ssettm $0x1  }
0x91: {  	s18 =	sld [smem:$0x3FFB];
	_ =	sdelay $0x3  }
0x92: {  	_ =	strace s18  }
0x93: {  	s2 =	sld [smem:$0x3FFC];
	_ =	sdelay $0x3  }
0x94: {  	_ =	strace s2  }
0x95: {  	s2 =	sld [smem:$0x3FFD];
	_ =	sdelay $0x3  }
0x96: {  	_ =	strace s2  }
0x97: {  	_ =	strace $0x8FFFFFFF  }
0x98: {  	s19 =	sld [smem:$0x3FDB];
	_ =	sdelay $0x1  }
0x99: {  	s20 =	simm.s32 $_scs_section_size  }
0x9a: {  	s4 =	simm.s32 $_size__tile_overlayer_lowered;
	s5 =	simm.s32 $_tile_overlayer_lowered  }
0x9b: {  	s6 =	simm.s32 $0x1BFF;
	s21 =	sshll.u32 s5, $0x1;
	s3 =	sadd.s32 s20, s19  }
0x9c: {  	s22 =	simm.s32 $0x0;
	s4 =	sshll.u32 s4, $0x1;
	s5 =	sadd.s32 s21, s3  }
0x9d: {  	[timem:s22], [sflag:s6] =	dma.local [hbm:s5], s4  }
0x9e: {  	_ =	swait.ge [sflag:s6], s4  }
0x9f: {  	s4 =	ssub.s32 $0x0, s4;
	[sflag:s6] =	ssyncset.done $0x0  }
0xa0: {  	[sflag:s6] =	ssyncadd.s32 s4;
	_ =	sdelay $0x1  }
0xa1: {  	s23 =	simm.s32 $0x1B8B  }
0xa2: {  	_ =	swait.ge [sflag:s23], $0x1  }
0xa3: {  	[sflag:s23] =	ssyncset.done $0x0  }
0xa4: {  	[sflag:s23] =	ssyncadd.s32 $0xFFFFFFFF  }
0xa5: {  	s4 =	sld [smem:$0x0]  }
0xa6: {  	s5 =	sand.u32 $0xFFFFFFFE, s1  }
0xa7: {  	p0 =	sne.s32 s1, s5  }
0xa8: {  	s5 =	sshll.u32 @p0 s5, $0xE  }
0xa9: {  	s5 =	sadd.s32 @p0 $0x11B8D, s5;
	s6 =	sshll.u32 @p0 s4, $0x11  }
0xaa: {  	s5 =	sor.u32 @p0 s6, s5  }
0xab: {  	[sflag:s5] =	ssyncadd.remote.s32 @p0 $0x1;
	_ =	sdelay $0x1  }
0xac: {  	s5 =	simm.s32 @p0 $0x1B8D  }
0xad: {  	_ =	swait.eq @p0 [sflag:s5], $0x1  }
0xae: {  	[sflag:s5] =	ssyncadd.s32 @p0 $0xFFFFFFFF  }
0xaf: {  	s6 =	sshll.u32 @!p0 s1, $0xE  }
0xb0: {  	s6 =	sor.u32 @!p0 $0x4000, s6;
	s5 =	simm.s32 @!p0 $0x1B8D  }
0xb1: {  	s4 =	sshll.u32 @!p0 s4, $0x11;
	s6 =	sadd.s32 @!p0 $0x11B8D, s6;
	_ =	swait.eq @!p0 [sflag:s5], $0x1  }
0xb2: {  	s4 =	sor.u32 @!p0 s4, s6;
	[sflag:s5] =	ssyncadd.s32 @!p0 $0xFFFFFFFF  }
0xb3: {  	s25 =	simm.s32 $0x1B8E;
	s24 =	sld [smem:$0x3FFE];
	[sflag:s4] =	ssyncadd.remote.s32 @!p0 $0x1  }
0xb4: {  	s26 =	simm.s32 $execute0_lowered;
	[smem:$0x3FD2] =	sst s25  }
0xb5: {  	s5 =	sshll.u32 s26, $0x1;
	_ =	strace $0x80000049;
	[dreg:$0x1] =	wrdreg $0xFFFFFFFF  }
0xb6: {  	s28 =	simm.s32 $_size_execute0_lowered;
	s3 =	sadd.s32 s3, s5;
	[dreg:$0x0] =	wrdreg $0x0  }
0xb7: {  	s5 =	sshll.u32 s28, $0x1;
	[dreg:$0x2] =	wrdreg s3  }
0xb8: {  	[dreg:$0x3] =	wrdreg s5  }
0xb9: {  	[dreg:$0x4] =	wrdreg $0xC0  }
0xba: {  	_ =	task [dreg:s22], $0x5FFFF  }
0xbb: {  	[dreg:$0x1] =	wrdreg $0xFFFFFFFF  }
0xbc: {  	[dreg:$0x0] =	wrdreg $0x60  }
0xbd: {  	[dreg:$0x2] =	wrdreg s24  }
0xbe: {  	[dreg:$0x3] =	wrdreg $0x88000  }
0xbf: {  	[dreg:$0x4] =	wrdreg $0x9  }
0xc0: {  	_ =	task.clear_ibuf [dreg:s22], $0x5FFFF;
	_ =	strace $0x90000049  }
0xc1: {  	s29 =	simm.s32 $0x9;
	_ =	strace $0x8000004B  }
0xc2: {  	_ =	swait.ge [sflag:s29], $0x1  }
0xc3: {  	[sflag:s29] =	ssyncadd.s32 $0xFFFFFFFF  }
0xc4: {  	_ =	strace $0x9000004B  }
0xc5: {  	_ =	sfence  }
0xc6: {  	s30 =	sld [smem:$0x0];
	_ =	sdelay $0x2  }
0xc7: {  	s31 =	sshll.u32 s1, $0xD;
	s1 =	sshrl.u32 s1, $0x2  }
0xc8: {  	s4 =	sand.u32 $0x4000, s31;
	s1 =	sadd.s32 s1, s30  }
0xc9: {  	s0 =	sor.u32 s4, s0;
	s1 =	sshll.u32 s1, $0x11  }
0xca: {  	s0 =	sor.u32 s1, s0  }
0xcb: {  	s0 =	sadd.s32 $0x8F2B, s0  }
0xcc: {  	[sflag:s0] =	ssyncadd.remote.s32 $0x1  }
0xcd: {  	_ =	sfence.sel $0xFFFF  }
0xce: {  	[dreg:$0x0] =	wrdreg $0xFFFFFFFF;
	(pc) =	sbr.abs _section_cstart, $3  }
0xcf: {  	[dreg:$0x1] =	wrdreg $0xFFFFFFFF  }
0xd0: {  	_ =	task.clear_ibuf [dreg:s22], $0x2FFFF;
	_ =	strace $0x9FFFFFFF  }
0xd1: {  	(tm) =	ssettm $0x7FFFFFFF  }
tec
execute0_lowered:
.L_overlay_start_1:
0x0: {  	(tag) =	ssettag $0x1  }
0x1: {  	s5 =	rddreg [dreg:$0x0]  }
0x2: {  	s0 =	srdreg.scid;
	s2 =	rddreg [dreg:$0x1];
	s3 =	simm.s32 $0x0  }
0x3: {  	s17 =	simm.s32 $0x6800;
	s18 =	simm.s32 $0x1;
	s4 =	sand.u32 $0x1, s0  }
0x4: {  	s19 =	simm.s32 $0x80;
	s0 =	stileid.u32;
	s7 =	smul.u32 $0x140000, s4  }
0x5: {  	s20 =	simm.s32 $0x2800;
	s1 =	sshll.u32 s4, $0x4;
	s8 =	smul.u32 $0x14000, s0  }
0x6: {  	s9 =	smul.u32 $0x50000, s0;
	s29 =	ssub.s32 $0x2, s4;
	s1 =	sor.u32 s0, s1  }
0x7: {  	[smem:$0x7FF] =	sst s3;
	s31 =	sshrl.u32 s29, $0x1;
	s6 =	smul.u32 $0x500, s1  }
0x8: {  	s1 =	rddreg [dreg:$0x2];
	_ =	strace $0x8000004A;
	s30 =	sshrl.u32 s9, $0x2  }
0x9: {  	s28 =	sadd.s32 s8, s7;
	s16 =	ssub.s32 s29, s31;
	s4 =	sadd.s32 s30, s2  }
0xa: {  	s16 =	smax.u32 s16, $0x1;
	s14 =	sadd.s32 s6, s5;
	s6 =	sshrl.u32 s28, $0x3  }
0xb: {  	s7 =	sadd.s32 $0x6000, s4;
	s8 =	sadd.s32 $0x8000, s4;
	s9 =	sadd.s32 $0xA000, s4  }
0xc: {  	s10 =	sadd.s32 $0xC000, s4;
	s11 =	sadd.s32 $0xE000, s4;
	s12 =	sadd.s32 $0x10000, s4  }
0xd: {  	v0 =	vimm.f32 $0.0e+00;
	vm0 =	vcmask $0x300;
	s13 =	sadd.s32 $0x12000, s4;
	s15 =	sadd.s32 s6, s5;
	s5 =	sadd.s32 $0x2000, s4  }
0xe: {  	v1 =	vsel vm0, $0x3F800000, v0;
	s6 =	sadd.s32 $0x4000, s4;
	s14 =	sadd.s32 $0x88C00, s14;
	s15 =	sadd.s32 $0x92C00, s15  }
.LBB2_1:
0xf: {  	s21 =	simm.s32 $0x0;
	s22 =	simm.s32 $0x200  }
.LBB2_2:
0x10: {  	p0 =	sne.s32 s22, $0x7E00;
	[tilespmem:s21+$0x6870] =	vst v0  }
0x11: {  	[tilespmem:s21+$0x6800] =	vst v0  }
0x12: {  	[tilespmem:s21+$0x6810] =	vst v0  }
.Ltmp0:
0x13: {  	[tilespmem:s21+$0x6820] =	vst v0;
	(pc) =	sbr.rel @p0 .LBB2_2-.Ltmp0, $4  }
0x14: {  	[tilespmem:s21+$0x6830] =	vst v0  }
0x15: {  	[tilespmem:s21+$0x6840] =	vst v0  }
0x16: {  	[tilespmem:s21+$0x6850] =	vst v0  }
0x17: {  	[tilespmem:s21+$0x6860] =	vst v0;
	s21 =	sshra.s32 s22, $0x2;
	s22 =	sadd.s32 $0x200, s22  }
0x18: {  	[tilespmem:s21+$0x6870] =	vst v0  }
0x19: {  	[tilespmem:s21+$0x6800] =	vst v0  }
0x1a: {  	[tilespmem:s21+$0x6810] =	vst v0  }
0x1b: {  	[tilespmem:s21+$0x6820] =	vst v0  }
0x1c: {  	[tilespmem:s21+$0x6830] =	vst v0  }
0x1d: {  	[tilespmem:s21+$0x6840] =	vst v0  }
0x1e: {  	[tilespmem:s21+$0x6850] =	vst v0  }
0x1f: {  	[tilespmem:s21+$0x6860] =	vst v0;
	s21 =	simm.s32 $0x0;
	s22 =	simm.s32 $0x200  }
.LBB2_4:
0x20: {  	p0 =	sne.s32 s22, $0xFE00;
	[tilespmem:s21+$0x2870] =	vst v0  }
0x21: {  	[tilespmem:s21+$0x2800] =	vst v1  }
0x22: {  	[tilespmem:s21+$0x2810] =	vst v0  }
.Ltmp1:
0x23: {  	[tilespmem:s21+$0x2820] =	vst v0;
	(pc) =	sbr.rel @p0 .LBB2_4-.Ltmp1, $4  }
0x24: {  	[tilespmem:s21+$0x2830] =	vst v0  }
0x25: {  	[tilespmem:s21+$0x2840] =	vst v0  }
0x26: {  	[tilespmem:s21+$0x2850] =	vst v0  }
0x27: {  	[tilespmem:s21+$0x2860] =	vst v0;
	s21 =	sshra.s32 s22, $0x2;
	s22 =	sadd.s32 $0x200, s22  }
0x28: {  	[tilespmem:s21+$0x2870] =	vst v0  }
0x29: {  	[tilespmem:s21+$0x2800] =	vst v1  }
0x2a: {  	[tilespmem:s21+$0x2810] =	vst v0  }
0x2b: {  	[tilespmem:s21+$0x2820] =	vst v0  }
0x2c: {  	[tilespmem:s21+$0x2830] =	vst v0  }
0x2d: {  	[tilespmem:s21+$0x2840] =	vst v0  }
0x2e: {  	[tilespmem:s21+$0x2850] =	vst v0  }
0x2f: {  	[tilespmem:s21+$0x2860] =	vst v0  }
0x30: {  	[spmem:s4] =	stream.linear.scatter [tilespmem:s17], [sflag:$0x1], $0x2000, $0x38;
	[tilespmem:$0x1C800] =	vst v63  }
0x31: {  	_ =	swait.ge [sflag:s18], $0x2000  }
0x32: {  	[sflag:s18] =	ssyncset.done $0x0  }
0x33: {  	[sflag:s18] =	ssyncadd.s32 $0xFFFFE000  }
0x34: {  	[spmem:s5] =	stream.linear.scatter [tilespmem:s17], [sflag:$0x1], $0x2000, $0x38;
	[tilespmem:$0x1C800] =	vst v63  }
0x35: {  	_ =	swait.ge [sflag:s18], $0x2000  }
0x36: {  	[sflag:s18] =	ssyncset.done $0x0  }
0x37: {  	[sflag:s18] =	ssyncadd.s32 $0xFFFFE000  }
0x38: {  	[spmem:s6] =	stream.linear.scatter [tilespmem:s17], [sflag:$0x1], $0x2000, $0x38;
	[tilespmem:$0x1C800] =	vst v63  }
0x39: {  	_ =	swait.ge [sflag:s18], $0x2000  }
0x3a: {  	[sflag:s18] =	ssyncset.done $0x0  }
0x3b: {  	[sflag:s18] =	ssyncadd.s32 $0xFFFFE000  }
0x3c: {  	[spmem:s7] =	stream.linear.scatter [tilespmem:s17], [sflag:$0x1], $0x2000, $0x38;
	[tilespmem:$0x1C800] =	vst v63  }
0x3d: {  	_ =	swait.ge [sflag:s18], $0x2000  }
0x3e: {  	[sflag:s18] =	ssyncset.done $0x0  }
0x3f: {  	[sflag:s18] =	ssyncadd.s32 $0xFFFFE000  }
0x40: {  	[spmem:s8] =	stream.linear.scatter [tilespmem:s17], [sflag:$0x1], $0x2000, $0x38;
	[tilespmem:$0x1C800] =	vst v63  }
0x41: {  	_ =	swait.ge [sflag:s18], $0x2000  }
0x42: {  	[sflag:s18] =	ssyncset.done $0x0  }
0x43: {  	[sflag:s18] =	ssyncadd.s32 $0xFFFFE000  }
0x44: {  	[spmem:s9] =	stream.linear.scatter [tilespmem:s17], [sflag:$0x1], $0x2000, $0x38;
	[tilespmem:$0x1C800] =	vst v63  }
0x45: {  	_ =	swait.ge [sflag:s18], $0x2000  }
0x46: {  	[sflag:s18] =	ssyncset.done $0x0  }
0x47: {  	[sflag:s18] =	ssyncadd.s32 $0xFFFFE000  }
0x48: {  	[spmem:s10] =	stream.linear.scatter [tilespmem:s17], [sflag:$0x1], $0x2000, $0x38;
	[tilespmem:$0x1C800] =	vst v63  }
0x49: {  	_ =	swait.ge [sflag:s18], $0x2000  }
0x4a: {  	[sflag:s18] =	ssyncset.done $0x0  }
0x4b: {  	[sflag:s18] =	ssyncadd.s32 $0xFFFFE000  }
0x4c: {  	[spmem:s11] =	stream.linear.scatter [tilespmem:s17], [sflag:$0x1], $0x2000, $0x38;
	[tilespmem:$0x1C800] =	vst v63  }
0x4d: {  	_ =	swait.ge [sflag:s18], $0x2000  }
0x4e: {  	[sflag:s18] =	ssyncset.done $0x0  }
0x4f: {  	[sflag:s18] =	ssyncadd.s32 $0xFFFFE000  }
0x50: {  	[spmem:s12] =	stream.linear.scatter [tilespmem:s17], [sflag:$0x1], $0x2000, $0x38;
	[tilespmem:$0x1C800] =	vst v63  }
0x51: {  	_ =	swait.ge [sflag:s18], $0x2000  }
0x52: {  	[sflag:s18] =	ssyncset.done $0x0  }
0x53: {  	[sflag:s18] =	ssyncadd.s32 $0xFFFFE000  }
0x54: {  	[spmem:s13] =	stream.linear.scatter [tilespmem:s17], [sflag:$0x1], $0x2000, $0x38;
	[tilespmem:$0x1C800] =	vst v63  }
0x55: {  	_ =	swait.ge [sflag:s18], $0x2000  }
0x56: {  	[sflag:s18] =	ssyncset.done $0x0  }
0x57: {  	[sflag:s18] =	ssyncadd.s32 $0xFFFFE000  }
0x58: {  	s30 =	simm.s32 $0x0;
	[bflag:$0x0] =	sbarrier.arrive $0xFFFF  }
0x59: {  	[tilespmem:s30], [sflag:$0x1] =	stream.linear.gather [hbm4b:s14+s30], $0x2780, $0x38;
	[tilespmem:$0x1C800] =	vst v63  }
0x5a: {  	_ =	swait.ge [sflag:s18], $0x2780  }
0x5b: {  	[sflag:s18] =	ssyncset.done $0x0  }
0x5c: {  	s31 =	simm.s32 $0x0;
	[sflag:s18] =	ssyncadd.s32 $0xFFFFD880  }
0x5d: {  	[spmem:s2] =	stream.indirect.scatter.add.f32 [tilespmem:s20], [sflag:$0x1], $0x80, s31, s19, $0xb8;
	[tilespmem:$0x1C800] =	vst v63  }
0x5e: {  	_ =	swait.ge [sflag:s18], $0x4000  }
0x5f: {  	s21 =	simm.s32 $0x200;
	[sflag:s18] =	ssyncset.done $0x0  }
.LBB2_6:
0x60: {  	s22 =	sshra.s32 s21, $0x2;
	[sflag:s18] =	ssyncadd.s32 $0xFFFFC000;
	p0 =	sne.s32 s21, $0x9C00  }
0x61: {  	[spmem:s2] =	stream.indirect.scatter.add.f32 [tilespmem:s20], [sflag:$0x1], $0x80, s22, s19, $0xb8;
	[tilespmem:$0x1C800] =	vst v63  }
.Ltmp2:
0x62: {  	_ = 	snop;
	(pc) =	sbr.rel @p0 .LBB2_6-.Ltmp2, $4  }
0x63: {  	_ = 	snop  }
0x64: {  	s21 =	sadd.s32 $0x200, s21  }
0x65: {  	_ =	swait.ge [sflag:s18], $0x4000  }
0x66: {  	[sflag:s18] =	ssyncset.done $0x0  }
0x67: {  	[sflag:s18] =	ssyncadd.s32 $0xFFFFC000;
	s3 =	sadd.s32 $0x1, s3  }
0x68: {  	s21 =	sshll.u32 s0, $0x6;
	s22 =	sshrl.u32 s4, $0x3;
	p0 =	sne.s32 s3, s16  }
.Ltmp3:
0x69: {  	[bflag:$0x0] =	sbarrier.arrive $0xFFFF;
	s21 =	sor.u32 $0x1C01, s21;
	(pc) =	sbr.rel @p0 .LBB2_1-.Ltmp3, $4  }
0x6a: {  	[hbm:s15], [sflag:s21] =	dma.local [spmem:s22], $0x2800  }
0x6b: {  	_ =	swait.ge [sflag:s18], $0x2800  }
0x6c: {  	[sflag:s18] =	ssyncset.done $0x0  }
0x6d: {  	[sflag:s18] =	ssyncadd.s32 $0xFFFFD800  }
0x6e: {  	_ =	sfence.sel $0x180000  }
0x6f: {  	[bflag:$0x0] =	sbarrier.arrive $0xFFFF  }
0x70: {  	p0 =	sne.s32 s0, $0x0;
	_ =	strace $0x9000004A  }
0x71: {  	s0 =	sadd.s32 @!p0 $0x100000, s1;
	[bflag:$0x2] =	sbarrier.arrive $0xFFFF  }
0x72: {  	[sflag:s0] =	ssyncadd.tile.s32 @!p0 $0x1;
	_ =	shalt  }
.Lfunc_end2:
_tile_overlayer_lowered:
.L_overlay_start_2:
0x73: {  	(tag) =	ssettag $0x2  }
0x74: {  	s0 =	rddreg [dreg:$0x0];
	s2 =	stileid.u32  }
0x75: {  	s1 =	rddreg [dreg:$0x1];
	p0 =	sne.s32 s2, $0x0  }
0x76: {  	s3 =	rddreg [dreg:$0x2];
	[bflag:$0x3] =	sbarrier.arrive $0xFFFF;
	s2 =	simm.s32 @!p0 $0x1C01  }
0x77: {  	[timem:s3], [sflag:s2] =	dma.local @!p0 [hbm:s0], s1  }
0x78: {  	s0 =	simm.s32 @!p0 $0x1  }
0x79: {  	_ =	swait.ge @!p0 [sflag:s0], s1  }
0x7a: {  	s1 =	ssub.s32 @!p0 $0x0, s1;
	[sflag:s0] =	ssyncset.done @!p0 $0x0  }
0x7b: {  	[sflag:s0] =	ssyncadd.s32 @!p0 s1  }
0x7c: {  	[bflag:$0x3] =	sbarrier.arrive $0xFFFF  }
0x7d: {  	_ =	shalt  }

</sc_bundles>
